<compile_context>
chip_gen: v7x
topology: tpu7x:2x2x1
jax: 0.10.2.dev20260603
libtpu: 0.0.44.dev20260713+nightly
codegen_flags: <defaults>
</compile_context>

<pallas_src>
import functools

import jax
import jax.numpy as jnp
from jax import lax
from jax.experimental import pallas as pl
from jax.experimental.pallas import tpu as pltpu
from jax.experimental.pallas import tpu_sc as plsc

_B, _F, _H, _W = 4, 16, 512, 512


_NC = 2
_NS = 16
_NW = _NC * _NS
_F_TC = 14
_F_SC = _F - _F_TC
_PLANES = _B * _F_SC
_ROWS_PER_W = (_PLANES * _H) // _NW
_ROWS = 64
_NCHUNK = _ROWS_PER_W // _ROWS


def _sc_body(x_hbm, out_hbm, buf0, buf1, acc_ref, sem0, sem1):
    cid = lax.axis_index("c")
    sid = lax.axis_index("s")
    wid = sid * _NC + cid

    bufs = (buf0, buf1)
    sems = (sem0, sem1)

    wpp = _NW // _PLANES
    plane = wid // wpp
    b = plane // _F_SC
    f = _F_TC + plane % _F_SC
    row_base = (wid % wpp) * _ROWS_PER_W

    def chunk_src(k):
        return x_hbm.at[b, f, pl.ds(row_base + k * _ROWS, _ROWS), :]

    pltpu.async_copy(chunk_src(0), buf0, sem0)

    accs = (jnp.zeros((16,), jnp.float32),) * 4
    for k in range(_NCHUNK):
        cur = bufs[k % 2]
        if k + 1 < _NCHUNK:
            pltpu.async_copy(chunk_src(k + 1), bufs[(k + 1) % 2], sems[(k + 1) % 2])
        pltpu.make_async_copy(chunk_src(k), cur, sems[k % 2]).wait()

        def row_sum(r, a, cur=cur):
            for j in range(_W // 16):
                a = a[:j % 4] + (a[j % 4] + cur[r, pl.ds(j * 16, 16)],) + a[j % 4 + 1:]
            return a

        accs = lax.fori_loop(0, _ROWS, row_sum, accs)

    acc_ref[...] = (accs[0] + accs[1]) + (accs[2] + accs[3])
    pltpu.sync_copy(acc_ref, out_hbm.at[wid])


_sc_sum = functools.partial(
    pl.kernel,
    mesh=plsc.VectorSubcoreMesh(core_axis_name="c", subcore_axis_name="s"),
    out_type=jax.ShapeDtypeStruct((_NW, 16), jnp.float32),
    scratch_types=[
        pltpu.VMEM((_ROWS, _W), jnp.float32),
        pltpu.VMEM((_ROWS, _W), jnp.float32),
        pltpu.VMEM((16,), jnp.float32),
        pltpu.SemaphoreType.DMA,
        pltpu.SemaphoreType.DMA,
    ],
)(_sc_body)


_FB = 7


def _tc_body(x_ref, o_ref, acc_ref):
    i = pl.program_id(0)
    j = pl.program_id(1)

    @pl.when((i == 0) & (j == 0))
    def _init():
        acc_ref[...] = jnp.zeros_like(acc_ref)

    x = x_ref[...].reshape(-1, 8, _W)
    acc_ref[...] += jnp.sum(x, axis=0)

    @pl.when((i == pl.num_programs(0) - 1) & (j == pl.num_programs(1) - 1))
    def _fini():
        o_ref[0, 0] = jnp.sum(acc_ref[...])


def _tc_sum(x):
    return pl.pallas_call(
        _tc_body,
        grid=(_B, _F_TC // _FB),
        in_specs=[pl.BlockSpec((1, _FB, _H, _W), lambda i, j: (i, j, 0, 0))],
        out_specs=pl.BlockSpec(memory_space=pltpu.SMEM),
        out_shape=jax.ShapeDtypeStruct((1, 1), jnp.float32),
        scratch_shapes=[pltpu.VMEM((8, _W), jnp.float32)],
    )(x)


def kernel(prediction, target):
    del target
    sc_partials = _sc_sum(prediction)
    tc_partial = _tc_sum(prediction)
    return tc_partial[0, 0] + jnp.sum(sc_partials)

# --- scband reference (transcript-rebuilt; emitter-appended) ---
"""Pipeline reference for scband-discriminative-loss-86242943304305 (READ-ONLY COPY).

The authoritative reference and input builder live on the scoring server;
editing this copy changes nothing except your own understanding.
"""

import jax, jax.numpy as jnp
import numpy as np


def setup_inputs(seed: int = 0) -> dict:
    key = jax.random.key(seed)
    k1, k2 = jax.random.split(key)
    prediction = jax.random.normal(k1, (4, 16, 512, 512), dtype=jnp.float32)
    target = jax.random.randint(k2, (4, 512, 512), 0, 8).astype(jnp.int64)
    return {"prediction": prediction, "target": target}


def _per_image_loss(pred, gt, n_features, n_loc):
    # pred: [n_features, n_loc] float, gt: [n_loc] int (concrete)
    n_instances = 8  # static bound: labels always drawn from [0, 8)
    unique_labels = jnp.sort(jnp.unique(gt, size=n_instances, fill_value=-1))
    seg = gt.reshape(-1)
    # _sort_instances: counts, segmented_sum, mu (mu is dead w.r.t. the returned
    # loss in the original torch module, kept here for structural fidelity)
    counts = jnp.zeros((n_instances,), jnp.float32).at[seg].add(1.0)
    segmented_sum = jax.ops.segment_sum(pred.T, seg, num_segments=n_instances).T
    mu = segmented_sum / counts[None, :]
    del mu  # unused by the module's returned loss (l_var/l_dist/l_reg are constants 0/1/2)
    # _calc_means: per-instance binary masks, masked prediction sum
    imasks = (seg[:, None] == unique_labels[None, :]).astype(pred.dtype)  # [n_loc, n_instances]
    pred_masked = pred[:, :, None] * imasks[None, :, :]  # [n_features, n_loc, n_instances]
    return pred_masked.sum()


def reference(prediction, target):
    B, H, W = target.shape
    n_features = prediction.shape[1]
    n_loc = H * W
    losses = []
    for i in range(B):
        pred = prediction[i].reshape(n_features, n_loc)
        gt = target[i].reshape(n_loc)
        losses.append(_per_image_loss(pred, gt, n_features, n_loc))
    out_loss = jnp.sum(jnp.stack(losses))
    return out_loss

if __name__ == "__main__":
    import jax
    _d = setup_inputs()
    print(jax.jit(kernel)(*tuple(_d.values())))

</pallas_src>

<mosaic_0001>
#map = affine_map<(d0, d1) -> (0, 0, 0, 0)>
#map1 = affine_map<(d0, d1) -> (0, 0)>
module attributes {stable_mosaic.version = 14 : i64} {
  func.func @_sc_body(%arg0: i32, %arg1: i32, %arg2: memref<4x16x512x512xf32, #tpu.memory_space<hbm>>, %arg3: memref<32x16xf32, #tpu.memory_space<hbm>>, %arg4: memref<64x512xf32, #tpu.memory_space<vmem>>, %arg5: memref<64x512xf32, #tpu.memory_space<vmem>>, %arg6: memref<16xf32, #tpu.memory_space<vmem>>, %arg7: memref<!tpu.dma_semaphore, #tpu.memory_space<semaphore_mem>>, %arg8: memref<!tpu.dma_semaphore, #tpu.memory_space<semaphore_mem>>) attributes {dimension_semantics = [#tpu.dimension_semantics<core_parallel>, #tpu.dimension_semantics<subcore_parallel>], iteration_bounds = array<i64: 2, 16>, scalar_prefetch = 0 : i64, scratch_operands = 5 : i64, tpu.core_type = #tpu.core_type<sc_vector_subcore>, window_params = [{transform_indices = #map}, {transform_indices = #map1}]} {
    %mul3A = arith.constant 2 : i32
    %mul3A_0 = arith.muli %arg1, %mul3A : i32
    %add3A = arith.addi %mul3A_0, %arg0 : i32
    %jit3A = arith.constant 4 : i32
    %div3A = arith.divsi %add3A, %jit3A : i32
    %sign3A = arith.constant 0 : i32
    %sign3A_1 = arith.cmpi sgt, %add3A, %sign3A : i32
    %sign3A_2 = arith.extui %sign3A_1 : i1 to i32
    %sign3A_3 = arith.constant 0 : i32
    %sign3A_4 = arith.cmpi slt, %add3A, %sign3A_3 : i32
    %sign3A_5 = arith.extui %sign3A_4 : i1 to i32
    %sign3A_6 = arith.subi %sign3A_2, %sign3A_5 : i32
    %sign3A_7 = arith.constant 0 : i32
    %sign3A_8 = arith.cmpi sgt, %jit3A, %sign3A_7 : i32
    %sign3A_9 = arith.extui %sign3A_8 : i1 to i32
    %sign3A_10 = arith.constant 0 : i32
    %sign3A_11 = arith.cmpi slt, %jit3A, %sign3A_10 : i32
    %sign3A_12 = arith.extui %sign3A_11 : i1 to i32
    %sign3A_13 = arith.subi %sign3A_9, %sign3A_12 : i32
    %ne3A = arith.cmpi ne, %sign3A_6, %sign3A_13 : i32
    %rem3A = arith.remsi %add3A, %jit3A : i32
    %ne3A_14 = arith.constant 0 : i32
    %ne3A_15 = arith.cmpi ne, %rem3A, %ne3A_14 : i32
    %and3A = arith.andi %ne3A, %ne3A_15 : i1
    %sub3A = arith.constant 1 : i32
    %sub3A_16 = arith.subi %div3A, %sub3A : i32
    %select_n3A = arith.select %and3A, %sub3A_16, %div3A : i32
    %jit3A_17 = arith.constant 2 : i32
    %div3A_18 = arith.divsi %select_n3A, %jit3A_17 : i32
    %sign3A_19 = arith.constant 0 : i32
    %sign3A_20 = arith.cmpi sgt, %select_n3A, %sign3A_19 : i32
    %sign3A_21 = arith.extui %sign3A_20 : i1 to i32
    %sign3A_22 = arith.constant 0 : i32
    %sign3A_23 = arith.cmpi slt, %select_n3A, %sign3A_22 : i32
    %sign3A_24 = arith.extui %sign3A_23 : i1 to i32
    %sign3A_25 = arith.subi %sign3A_21, %sign3A_24 : i32
    %sign3A_26 = arith.constant 0 : i32
    %sign3A_27 = arith.cmpi sgt, %jit3A_17, %sign3A_26 : i32
    %sign3A_28 = arith.extui %sign3A_27 : i1 to i32
    %sign3A_29 = arith.constant 0 : i32
    %sign3A_30 = arith.cmpi slt, %jit3A_17, %sign3A_29 : i32
    %sign3A_31 = arith.extui %sign3A_30 : i1 to i32
    %sign3A_32 = arith.subi %sign3A_28, %sign3A_31 : i32
    %ne3A_33 = arith.cmpi ne, %sign3A_25, %sign3A_32 : i32
    %rem3A_34 = arith.remsi %select_n3A, %jit3A_17 : i32
    %ne3A_35 = arith.constant 0 : i32
    %ne3A_36 = arith.cmpi ne, %rem3A_34, %ne3A_35 : i32
    %and3A_37 = arith.andi %ne3A_33, %ne3A_36 : i1
    %sub3A_38 = arith.constant 1 : i32
    %sub3A_39 = arith.subi %div3A_18, %sub3A_38 : i32
    %select_n3A_40 = arith.select %and3A_37, %sub3A_39, %div3A_18 : i32
    %jit3A_41 = arith.constant 2 : i32
    %eq3A = arith.constant 0 : i32
    %eq3A_42 = arith.cmpi eq, %jit3A_41, %eq3A : i32
    %jit3A_43 = arith.constant 1 : i32
    %select_n3A_44 = arith.select %eq3A_42, %jit3A_43, %jit3A_41 : i32
    %rem3A_45 = arith.remsi %select_n3A, %select_n3A_44 : i32
    %ne3A_46 = arith.constant 0 : i32
    %ne3A_47 = arith.cmpi ne, %rem3A_45, %ne3A_46 : i32
    %lt3A = arith.constant 0 : i32
    %lt3A_48 = arith.cmpi slt, %rem3A_45, %lt3A : i32
    %lt3A_49 = arith.constant 0 : i32
    %lt3A_50 = arith.cmpi slt, %select_n3A_44, %lt3A_49 : i32
    %ne3A_51 = arith.xori %lt3A_48, %lt3A_50 : i1
    %and3A_52 = arith.andi %ne3A_51, %ne3A_47 : i1
    %add3A_53 = arith.addi %rem3A_45, %select_n3A_44 : i32
    %select_n3A_54 = arith.select %and3A_52, %add3A_53, %rem3A_45 : i32
    %add3A_55 = arith.constant 14 : i32
    %add3A_56 = arith.addi %add3A_55, %select_n3A_54 : i32
    %jit3A_57 = arith.constant 4 : i32
    %eq3A_58 = arith.constant 0 : i32
    %eq3A_59 = arith.cmpi eq, %jit3A_57, %eq3A_58 : i32
    %jit3A_60 = arith.constant 1 : i32
    %select_n3A_61 = arith.select %eq3A_59, %jit3A_60, %jit3A_57 : i32
    %rem3A_62 = arith.remsi %add3A, %select_n3A_61 : i32
    %ne3A_63 = arith.constant 0 : i32
    %ne3A_64 = arith.cmpi ne, %rem3A_62, %ne3A_63 : i32
    %lt3A_65 = arith.constant 0 : i32
    %lt3A_66 = arith.cmpi slt, %rem3A_62, %lt3A_65 : i32
    %lt3A_67 = arith.constant 0 : i32
    %lt3A_68 = arith.cmpi slt, %select_n3A_61, %lt3A_67 : i32
    %ne3A_69 = arith.xori %lt3A_66, %lt3A_68 : i1
    %and3A_70 = arith.andi %ne3A_69, %ne3A_64 : i1
    %add3A_71 = arith.addi %rem3A_62, %select_n3A_61 : i32
    %select_n3A_72 = arith.select %and3A_70, %add3A_71, %rem3A_62 : i32
    %mul3A_73 = arith.constant 128 : i32
    %mul3A_74 = arith.muli %select_n3A_72, %mul3A_73 : i32
    %add3A_75 = arith.constant 0 : i32
    %add3A_76 = arith.addi %mul3A_74, %add3A_75 : i32
    %dma_start3A = arith.constant 0 : i32
    %dma_start3A_77 = tpu.memref_slice %arg2[%select_n3A_40, %add3A_56, %add3A_76, %dma_start3A] : memref<4x16x512x512xf32, #tpu.memory_space<hbm>> -> memref<1x1x64x512xf32, #tpu.memory_space<hbm>>
    %dma_start3A_78 = tpu.memref_squeeze %dma_start3A_77 : memref<1x1x64x512xf32, #tpu.memory_space<hbm>> -> memref<64x512xf32, #tpu.memory_space<hbm>>
    %dma_start3A_79 = arith.constant 0 : i32
    %dma_start3A_80 = tpu.memref_slice %arg2[%select_n3A_40, %add3A_56, %add3A_76, %dma_start3A_79] : memref<4x16x512x512xf32, #tpu.memory_space<hbm>> -> memref<1x1x64x512xf32, #tpu.memory_space<hbm>>
    %dma_start3A_81 = tpu.memref_squeeze %dma_start3A_80 : memref<1x1x64x512xf32, #tpu.memory_space<hbm>> -> memref<64x512xf32, #tpu.memory_space<hbm>>
    tpu.enqueue_dma source(%dma_start3A_81 : memref<64x512xf32, #tpu.memory_space<hbm>>) target(%arg4 : memref<64x512xf32, #tpu.memory_space<vmem>>) target_semaphore(%arg7 : memref<!tpu.dma_semaphore, #tpu.memory_space<semaphore_mem>>)
    %broadcast_in_dim3A = arith.constant 0.000000e+00 : f32
    %broadcast_in_dim3A_82 = vector.broadcast %broadcast_in_dim3A : f32 to vector<16xf32>
    %add3A_83 = arith.constant 64 : i32
    %add3A_84 = arith.addi %mul3A_74, %add3A_83 : i32
    %dma_start3A_85 = arith.constant 0 : i32
    %dma_start3A_86 = tpu.memref_slice %arg2[%select_n3A_40, %add3A_56, %add3A_84, %dma_start3A_85] : memref<4x16x512x512xf32, #tpu.memory_space<hbm>> -> memref<1x1x64x512xf32, #tpu.memory_space<hbm>>
    %dma_start3A_87 = tpu.memref_squeeze %dma_start3A_86 : memref<1x1x64x512xf32, #tpu.memory_space<hbm>> -> memref<64x512xf32, #tpu.memory_space<hbm>>
    %dma_start3A_88 = arith.constant 0 : i32
    %dma_start3A_89 = tpu.memref_slice %arg2[%select_n3A_40, %add3A_56, %add3A_84, %dma_start3A_88] : memref<4x16x512x512xf32, #tpu.memory_space<hbm>> -> memref<1x1x64x512xf32, #tpu.memory_space<hbm>>
    %dma_start3A_90 = tpu.memref_squeeze %dma_start3A_89 : memref<1x1x64x512xf32, #tpu.memory_space<hbm>> -> memref<64x512xf32, #tpu.memory_space<hbm>>
    tpu.enqueue_dma source(%dma_start3A_90 : memref<64x512xf32, #tpu.memory_space<hbm>>) target(%arg5 : memref<64x512xf32, #tpu.memory_space<vmem>>) target_semaphore(%arg8 : memref<!tpu.dma_semaphore, #tpu.memory_space<semaphore_mem>>)
    %add3A_91 = arith.constant 0 : i32
    %add3A_92 = arith.addi %mul3A_74, %add3A_91 : i32
    %dma_wait3A = arith.constant 0 : i32
    %dma_wait3A_93 = tpu.memref_slice %arg2[%select_n3A_40, %add3A_56, %add3A_92, %dma_wait3A] : memref<4x16x512x512xf32, #tpu.memory_space<hbm>> -> memref<1x1x64x512xf32, #tpu.memory_space<hbm>>
    %dma_wait3A_94 = tpu.memref_squeeze %dma_wait3A_93 : memref<1x1x64x512xf32, #tpu.memory_space<hbm>> -> memref<64x512xf32, #tpu.memory_space<hbm>>
    %dma_wait3A_95 = arith.constant 0 : i32
    %dma_wait3A_96 = tpu.memref_slice %arg2[%select_n3A_40, %add3A_56, %add3A_92, %dma_wait3A_95] : memref<4x16x512x512xf32, #tpu.memory_space<hbm>> -> memref<1x1x64x512xf32, #tpu.memory_space<hbm>>
    %dma_wait3A_97 = tpu.memref_squeeze %dma_wait3A_96 : memref<1x1x64x512xf32, #tpu.memory_space<hbm>> -> memref<64x512xf32, #tpu.memory_space<hbm>>
    tpu.wait_dma2 semaphore(%arg7 : memref<!tpu.dma_semaphore, #tpu.memory_space<semaphore_mem>>) src(%dma_wait3A_97 : memref<64x512xf32, #tpu.memory_space<hbm>>) dst(%arg4 : memref<64x512xf32, #tpu.memory_space<vmem>>)
    %scan3A = arith.constant 0 : i32
    %scan3A_98 = arith.constant 64 : i32
    %scan3A_99 = arith.addi %scan3A, %scan3A_98 : i32
    %scan3A_100 = arith.constant 1 : i32
    %scan3A_101:4 = scf.for %scan3A_123 = %scan3A to %scan3A_99 step %scan3A_100 iter_args(%scan3A_124 = %broadcast_in_dim3A_82, %scan3A_125 = %broadcast_in_dim3A_82, %scan3A_126 = %broadcast_in_dim3A_82, %scan3A_127 = %broadcast_in_dim3A_82) -> (vector<16xf32>, vector<16xf32>, vector<16xf32>, vector<16xf32>)  : i32 {
      %get3A = arith.index_cast %scan3A_123 : i32 to index
      %get3A_128 = arith.constant 0 : index
      %get3A_129 = tpu.vector_load %arg4[%get3A, %get3A_128] {strides = array<i32>} : memref<64x512xf32, #tpu.memory_space<vmem>>, vector<1x16xf32>,
      %get3A_130 = vector.shape_cast %get3A_129 : vector<1x16xf32> to vector<16xf32>
      %add3A_131 = arith.addf %scan3A_124, %get3A_130 : vector<16xf32>
      %get3A_132 = arith.index_cast %scan3A_123 : i32 to index
      %get3A_133 = arith.constant 16 : index
      %get3A_134 = tpu.vector_load %arg4[%get3A_132, %get3A_133] {strides = array<i32>} : memref<64x512xf32, #tpu.memory_space<vmem>>, vector<1x16xf32>,
      %get3A_135 = vector.shape_cast %get3A_134 : vector<1x16xf32> to vector<16xf32>
      %add3A_136 = arith.addf %scan3A_125, %get3A_135 : vector<16xf32>
      %get3A_137 = arith.index_cast %scan3A_123 : i32 to index
      %get3A_138 = arith.constant 32 : index
      %get3A_139 = tpu.vector_load %arg4[%get3A_137, %get3A_138] {strides = array<i32>} : memref<64x512xf32, #tpu.memory_space<vmem>>, vector<1x16xf32>,
      %get3A_140 = vector.shape_cast %get3A_139 : vector<1x16xf32> to vector<16xf32>
      %add3A_141 = arith.addf %scan3A_126, %get3A_140 : vector<16xf32>
      %get3A_142 = arith.index_cast %scan3A_123 : i32 to index
      %get3A_143 = arith.constant 48 : index
      %get3A_144 = tpu.vector_load %arg4[%get3A_142, %get3A_143] {strides = array<i32>} : memref<64x512xf32, #tpu.memory_space<vmem>>, vector<1x16xf32>,
      %get3A_145 = vector.shape_cast %get3A_144 : vector<1x16xf32> to vector<16xf32>
      %add3A_146 = arith.addf %scan3A_127, %get3A_145 : vector<16xf32>
      %get3A_147 = arith.index_cast %scan3A_123 : i32 to index
      %get3A_148 = arith.constant 64 : index
      %get3A_149 = tpu.vector_load %arg4[%get3A_147, %get3A_148] {strides = array<i32>} : memref<64x512xf32, #tpu.memory_space<vmem>>, vector<1x16xf32>,
      %get3A_150 = vector.shape_cast %get3A_149 : vector<1x16xf32> to vector<16xf32>
      %add3A_151 = arith.addf %add3A_131, %get3A_150 : vector<16xf32>
      %get3A_152 = arith.index_cast %scan3A_123 : i32 to index
      %get3A_153 = arith.constant 80 : index
      %get3A_154 = tpu.vector_load %arg4[%get3A_152, %get3A_153] {strides = array<i32>} : memref<64x512xf32, #tpu.memory_space<vmem>>, vector<1x16xf32>,
      %get3A_155 = vector.shape_cast %get3A_154 : vector<1x16xf32> to vector<16xf32>
      %add3A_156 = arith.addf %add3A_136, %get3A_155 : vector<16xf32>
      %get3A_157 = arith.index_cast %scan3A_123 : i32 to index
      %get3A_158 = arith.constant 96 : index
      %get3A_159 = tpu.vector_load %arg4[%get3A_157, %get3A_158] {strides = array<i32>} : memref<64x512xf32, #tpu.memory_space<vmem>>, vector<1x16xf32>,
      %get3A_160 = vector.shape_cast %get3A_159 : vector<1x16xf32> to vector<16xf32>
      %add3A_161 = arith.addf %add3A_141, %get3A_160 : vector<16xf32>
      %get3A_162 = arith.index_cast %scan3A_123 : i32 to index
      %get3A_163 = arith.constant 112 : index
      %get3A_164 = tpu.vector_load %arg4[%get3A_162, %get3A_163] {strides = array<i32>} : memref<64x512xf32, #tpu.memory_space<vmem>>, vector<1x16xf32>,
      %get3A_165 = vector.shape_cast %get3A_164 : vector<1x16xf32> to vector<16xf32>
      %add3A_166 = arith.addf %add3A_146, %get3A_165 : vector<16xf32>
      %get3A_167 = arith.index_cast %scan3A_123 : i32 to index
      %get3A_168 = arith.constant 128 : index
      %get3A_169 = tpu.vector_load %arg4[%get3A_167, %get3A_168] {strides = array<i32>} : memref<64x512xf32, #tpu.memory_space<vmem>>, vector<1x16xf32>,
      %get3A_170 = vector.shape_cast %get3A_169 : vector<1x16xf32> to vector<16xf32>
      %add3A_171 = arith.addf %add3A_151, %get3A_170 : vector<16xf32>
      %get3A_172 = arith.index_cast %scan3A_123 : i32 to index
      %get3A_173 = arith.constant 144 : index
      %get3A_174 = tpu.vector_load %arg4[%get3A_172, %get3A_173] {strides = array<i32>} : memref<64x512xf32, #tpu.memory_space<vmem>>, vector<1x16xf32>,
      %get3A_175 = vector.shape_cast %get3A_174 : vector<1x16xf32> to vector<16xf32>
      %add3A_176 = arith.addf %add3A_156, %get3A_175 : vector<16xf32>
      %get3A_177 = arith.index_cast %scan3A_123 : i32 to index
      %get3A_178 = arith.constant 160 : index
      %get3A_179 = tpu.vector_load %arg4[%get3A_177, %get3A_178] {strides = array<i32>} : memref<64x512xf32, #tpu.memory_space<vmem>>, vector<1x16xf32>,
      %get3A_180 = vector.shape_cast %get3A_179 : vector<1x16xf32> to vector<16xf32>
      %add3A_181 = arith.addf %add3A_161, %get3A_180 : vector<16xf32>
      %get3A_182 = arith.index_cast %scan3A_123 : i32 to index
      %get3A_183 = arith.constant 176 : index
      %get3A_184 = tpu.vector_load %arg4[%get3A_182, %get3A_183] {strides = array<i32>} : memref<64x512xf32, #tpu.memory_space<vmem>>, vector<1x16xf32>,
      %get3A_185 = vector.shape_cast %get3A_184 : vector<1x16xf32> to vector<16xf32>
      %add3A_186 = arith.addf %add3A_166, %get3A_185 : vector<16xf32>
      %get3A_187 = arith.index_cast %scan3A_123 : i32 to index
      %get3A_188 = arith.constant 192 : index
      %get3A_189 = tpu.vector_load %arg4[%get3A_187, %get3A_188] {strides = array<i32>} : memref<64x512xf32, #tpu.memory_space<vmem>>, vector<1x16xf32>,
      %get3A_190 = vector.shape_cast %get3A_189 : vector<1x16xf32> to vector<16xf32>
      %add3A_191 = arith.addf %add3A_171, %get3A_190 : vector<16xf32>
      %get3A_192 = arith.index_cast %scan3A_123 : i32 to index
      %get3A_193 = arith.constant 208 : index
      %get3A_194 = tpu.vector_load %arg4[%get3A_192, %get3A_193] {strides = array<i32>} : memref<64x512xf32, #tpu.memory_space<vmem>>, vector<1x16xf32>,
      %get3A_195 = vector.shape_cast %get3A_194 : vector<1x16xf32> to vector<16xf32>
      %add3A_196 = arith.addf %add3A_176, %get3A_195 : vector<16xf32>
      %get3A_197 = arith.index_cast %scan3A_123 : i32 to index
      %get3A_198 = arith.constant 224 : index
      %get3A_199 = tpu.vector_load %arg4[%get3A_197, %get3A_198] {strides = array<i32>} : memref<64x512xf32, #tpu.memory_space<vmem>>, vector<1x16xf32>,
      %get3A_200 = vector.shape_cast %get3A_199 : vector<1x16xf32> to vector<16xf32>
      %add3A_201 = arith.addf %add3A_181, %get3A_200 : vector<16xf32>
      %get3A_202 = arith.index_cast %scan3A_123 : i32 to index
      %get3A_203 = arith.constant 240 : index
      %get3A_204 = tpu.vector_load %arg4[%get3A_202, %get3A_203] {strides = array<i32>} : memref<64x512xf32, #tpu.memory_space<vmem>>, vector<1x16xf32>,
      %get3A_205 = vector.shape_cast %get3A_204 : vector<1x16xf32> to vector<16xf32>
      %add3A_206 = arith.addf %add3A_186, %get3A_205 : vector<16xf32>
      %get3A_207 = arith.index_cast %scan3A_123 : i32 to index
      %get3A_208 = arith.constant 256 : index
      %get3A_209 = tpu.vector_load %arg4[%get3A_207, %get3A_208] {strides = array<i32>} : memref<64x512xf32, #tpu.memory_space<vmem>>, vector<1x16xf32>,
      %get3A_210 = vector.shape_cast %get3A_209 : vector<1x16xf32> to vector<16xf32>
      %add3A_211 = arith.addf %add3A_191, %get3A_210 : vector<16xf32>
      %get3A_212 = arith.index_cast %scan3A_123 : i32 to index
      %get3A_213 = arith.constant 272 : index
      %get3A_214 = tpu.vector_load %arg4[%get3A_212, %get3A_213] {strides = array<i32>} : memref<64x512xf32, #tpu.memory_space<vmem>>, vector<1x16xf32>,
      %get3A_215 = vector.shape_cast %get3A_214 : vector<1x16xf32> to vector<16xf32>
      %add3A_216 = arith.addf %add3A_196, %get3A_215 : vector<16xf32>
      %get3A_217 = arith.index_cast %scan3A_123 : i32 to index
      %get3A_218 = arith.constant 288 : index
      %get3A_219 = tpu.vector_load %arg4[%get3A_217, %get3A_218] {strides = array<i32>} : memref<64x512xf32, #tpu.memory_space<vmem>>, vector<1x16xf32>,
      %get3A_220 = vector.shape_cast %get3A_219 : vector<1x16xf32> to vector<16xf32>
      %add3A_221 = arith.addf %add3A_201, %get3A_220 : vector<16xf32>
      %get3A_222 = arith.index_cast %scan3A_123 : i32 to index
      %get3A_223 = arith.constant 304 : index
      %get3A_224 = tpu.vector_load %arg4[%get3A_222, %get3A_223] {strides = array<i32>} : memref<64x512xf32, #tpu.memory_space<vmem>>, vector<1x16xf32>,
      %get3A_225 = vector.shape_cast %get3A_224 : vector<1x16xf32> to vector<16xf32>
      %add3A_226 = arith.addf %add3A_206, %get3A_225 : vector<16xf32>
      %get3A_227 = arith.index_cast %scan3A_123 : i32 to index
      %get3A_228 = arith.constant 320 : index
      %get3A_229 = tpu.vector_load %arg4[%get3A_227, %get3A_228] {strides = array<i32>} : memref<64x512xf32, #tpu.memory_space<vmem>>, vector<1x16xf32>,
      %get3A_230 = vector.shape_cast %get3A_229 : vector<1x16xf32> to vector<16xf32>
      %add3A_231 = arith.addf %add3A_211, %get3A_230 : vector<16xf32>
      %get3A_232 = arith.index_cast %scan3A_123 : i32 to index
      %get3A_233 = arith.constant 336 : index
      %get3A_234 = tpu.vector_load %arg4[%get3A_232, %get3A_233] {strides = array<i32>} : memref<64x512xf32, #tpu.memory_space<vmem>>, vector<1x16xf32>,
      %get3A_235 = vector.shape_cast %get3A_234 : vector<1x16xf32> to vector<16xf32>
      %add3A_236 = arith.addf %add3A_216, %get3A_235 : vector<16xf32>
      %get3A_237 = arith.index_cast %scan3A_123 : i32 to index
      %get3A_238 = arith.constant 352 : index
      %get3A_239 = tpu.vector_load %arg4[%get3A_237, %get3A_238] {strides = array<i32>} : memref<64x512xf32, #tpu.memory_space<vmem>>, vector<1x16xf32>,
      %get3A_240 = vector.shape_cast %get3A_239 : vector<1x16xf32> to vector<16xf32>
      %add3A_241 = arith.addf %add3A_221, %get3A_240 : vector<16xf32>
      %get3A_242 = arith.index_cast %scan3A_123 : i32 to index
      %get3A_243 = arith.constant 368 : index
      %get3A_244 = tpu.vector_load %arg4[%get3A_242, %get3A_243] {strides = array<i32>} : memref<64x512xf32, #tpu.memory_space<vmem>>, vector<1x16xf32>,
      %get3A_245 = vector.shape_cast %get3A_244 : vector<1x16xf32> to vector<16xf32>
      %add3A_246 = arith.addf %add3A_226, %get3A_245 : vector<16xf32>
      %get3A_247 = arith.index_cast %scan3A_123 : i32 to index
      %get3A_248 = arith.constant 384 : index
      %get3A_249 = tpu.vector_load %arg4[%get3A_247, %get3A_248] {strides = array<i32>} : memref<64x512xf32, #tpu.memory_space<vmem>>, vector<1x16xf32>,
      %get3A_250 = vector.shape_cast %get3A_249 : vector<1x16xf32> to vector<16xf32>
      %add3A_251 = arith.addf %add3A_231, %get3A_250 : vector<16xf32>
      %get3A_252 = arith.index_cast %scan3A_123 : i32 to index
      %get3A_253 = arith.constant 400 : index
      %get3A_254 = tpu.vector_load %arg4[%get3A_252, %get3A_253] {strides = array<i32>} : memref<64x512xf32, #tpu.memory_space<vmem>>, vector<1x16xf32>,
      %get3A_255 = vector.shape_cast %get3A_254 : vector<1x16xf32> to vector<16xf32>
      %add3A_256 = arith.addf %add3A_236, %get3A_255 : vector<16xf32>
      %get3A_257 = arith.index_cast %scan3A_123 : i32 to index
      %get3A_258 = arith.constant 416 : index
      %get3A_259 = tpu.vector_load %arg4[%get3A_257, %get3A_258] {strides = array<i32>} : memref<64x512xf32, #tpu.memory_space<vmem>>, vector<1x16xf32>,
      %get3A_260 = vector.shape_cast %get3A_259 : vector<1x16xf32> to vector<16xf32>
      %add3A_261 = arith.addf %add3A_241, %get3A_260 : vector<16xf32>
      %get3A_262 = arith.index_cast %scan3A_123 : i32 to index
      %get3A_263 = arith.constant 432 : index
      %get3A_264 = tpu.vector_load %arg4[%get3A_262, %get3A_263] {strides = array<i32>} : memref<64x512xf32, #tpu.memory_space<vmem>>, vector<1x16xf32>,
      %get3A_265 = vector.shape_cast %get3A_264 : vector<1x16xf32> to vector<16xf32>
      %add3A_266 = arith.addf %add3A_246, %get3A_265 : vector<16xf32>
      %get3A_267 = arith.index_cast %scan3A_123 : i32 to index
      %get3A_268 = arith.constant 448 : index
      %get3A_269 = tpu.vector_load %arg4[%get3A_267, %get3A_268] {strides = array<i32>} : memref<64x512xf32, #tpu.memory_space<vmem>>, vector<1x16xf32>,
      %get3A_270 = vector.shape_cast %get3A_269 : vector<1x16xf32> to vector<16xf32>
      %add3A_271 = arith.addf %add3A_251, %get3A_270 : vector<16xf32>
      %get3A_272 = arith.index_cast %scan3A_123 : i32 to index
      %get3A_273 = arith.constant 464 : index
      %get3A_274 = tpu.vector_load %arg4[%get3A_272, %get3A_273] {strides = array<i32>} : memref<64x512xf32, #tpu.memory_space<vmem>>, vector<1x16xf32>,
      %get3A_275 = vector.shape_cast %get3A_274 : vector<1x16xf32> to vector<16xf32>
      %add3A_276 = arith.addf %add3A_256, %get3A_275 : vector<16xf32>
      %get3A_277 = arith.index_cast %scan3A_123 : i32 to index
      %get3A_278 = arith.constant 480 : index
      %get3A_279 = tpu.vector_load %arg4[%get3A_277, %get3A_278] {strides = array<i32>} : memref<64x512xf32, #tpu.memory_space<vmem>>, vector<1x16xf32>,
      %get3A_280 = vector.shape_cast %get3A_279 : vector<1x16xf32> to vector<16xf32>
      %add3A_281 = arith.addf %add3A_261, %get3A_280 : vector<16xf32>
      %get3A_282 = arith.index_cast %scan3A_123 : i32 to index
      %get3A_283 = arith.constant 496 : index
      %get3A_284 = tpu.vector_load %arg4[%get3A_282, %get3A_283] {strides = array<i32>} : memref<64x512xf32, #tpu.memory_space<vmem>>, vector<1x16xf32>,
      %get3A_285 = vector.shape_cast %get3A_284 : vector<1x16xf32> to vector<16xf32>
      %add3A_286 = arith.addf %add3A_266, %get3A_285 : vector<16xf32>
      scf.yield %add3A_271, %add3A_276, %add3A_281, %add3A_286 : vector<16xf32>, vector<16xf32>, vector<16xf32>, vector<16xf32>
    }
    %scan3A_102 = arith.constant 64 : i32
    %add3A_103 = arith.constant 64 : i32
    %add3A_104 = arith.addi %mul3A_74, %add3A_103 : i32
    %dma_wait3A_105 = arith.constant 0 : i32
    %dma_wait3A_106 = tpu.memref_slice %arg2[%select_n3A_40, %add3A_56, %add3A_104, %dma_wait3A_105] : memref<4x16x512x512xf32, #tpu.memory_space<hbm>> -> memref<1x1x64x512xf32, #tpu.memory_space<hbm>>
    %dma_wait3A_107 = tpu.memref_squeeze %dma_wait3A_106 : memref<1x1x64x512xf32, #tpu.memory_space<hbm>> -> memref<64x512xf32, #tpu.memory_space<hbm>>
    %dma_wait3A_108 = arith.constant 0 : i32
    %dma_wait3A_109 = tpu.memref_slice %arg2[%select_n3A_40, %add3A_56, %add3A_104, %dma_wait3A_108] : memref<4x16x512x512xf32, #tpu.memory_space<hbm>> -> memref<1x1x64x512xf32, #tpu.memory_space<hbm>>
    %dma_wait3A_110 = tpu.memref_squeeze %dma_wait3A_109 : memref<1x1x64x512xf32, #tpu.memory_space<hbm>> -> memref<64x512xf32, #tpu.memory_space<hbm>>
    tpu.wait_dma2 semaphore(%arg8 : memref<!tpu.dma_semaphore, #tpu.memory_space<semaphore_mem>>) src(%dma_wait3A_110 : memref<64x512xf32, #tpu.memory_space<hbm>>) dst(%arg5 : memref<64x512xf32, #tpu.memory_space<vmem>>)
    %scan3A_111 = arith.constant 0 : i32
    %scan3A_112 = arith.constant 64 : i32
    %scan3A_113 = arith.addi %scan3A_111, %scan3A_112 : i32
    %scan3A_114 = arith.constant 1 : i32
    %scan3A_115:4 = scf.for %scan3A_123 = %scan3A_111 to %scan3A_113 step %scan3A_114 iter_args(%scan3A_124 = %scan3A_101#0, %scan3A_125 = %scan3A_101#1, %scan3A_126 = %scan3A_101#2, %scan3A_127 = %scan3A_101#3) -> (vector<16xf32>, vector<16xf32>, vector<16xf32>, vector<16xf32>)  : i32 {
      %get3A = arith.index_cast %scan3A_123 : i32 to index
      %get3A_128 = arith.constant 0 : index
      %get3A_129 = tpu.vector_load %arg5[%get3A, %get3A_128] {strides = array<i32>} : memref<64x512xf32, #tpu.memory_space<vmem>>, vector<1x16xf32>,
      %get3A_130 = vector.shape_cast %get3A_129 : vector<1x16xf32> to vector<16xf32>
      %add3A_131 = arith.addf %scan3A_124, %get3A_130 : vector<16xf32>
      %get3A_132 = arith.index_cast %scan3A_123 : i32 to index
      %get3A_133 = arith.constant 16 : index
      %get3A_134 = tpu.vector_load %arg5[%get3A_132, %get3A_133] {strides = array<i32>} : memref<64x512xf32, #tpu.memory_space<vmem>>, vector<1x16xf32>,
      %get3A_135 = vector.shape_cast %get3A_134 : vector<1x16xf32> to vector<16xf32>
      %add3A_136 = arith.addf %scan3A_125, %get3A_135 : vector<16xf32>
      %get3A_137 = arith.index_cast %scan3A_123 : i32 to index
      %get3A_138 = arith.constant 32 : index
      %get3A_139 = tpu.vector_load %arg5[%get3A_137, %get3A_138] {strides = array<i32>} : memref<64x512xf32, #tpu.memory_space<vmem>>, vector<1x16xf32>,
      %get3A_140 = vector.shape_cast %get3A_139 : vector<1x16xf32> to vector<16xf32>
      %add3A_141 = arith.addf %scan3A_126, %get3A_140 : vector<16xf32>
      %get3A_142 = arith.index_cast %scan3A_123 : i32 to index
      %get3A_143 = arith.constant 48 : index
      %get3A_144 = tpu.vector_load %arg5[%get3A_142, %get3A_143] {strides = array<i32>} : memref<64x512xf32, #tpu.memory_space<vmem>>, vector<1x16xf32>,
      %get3A_145 = vector.shape_cast %get3A_144 : vector<1x16xf32> to vector<16xf32>
      %add3A_146 = arith.addf %scan3A_127, %get3A_145 : vector<16xf32>
      %get3A_147 = arith.index_cast %scan3A_123 : i32 to index
      %get3A_148 = arith.constant 64 : index
      %get3A_149 = tpu.vector_load %arg5[%get3A_147, %get3A_148] {strides = array<i32>} : memref<64x512xf32, #tpu.memory_space<vmem>>, vector<1x16xf32>,
      %get3A_150 = vector.shape_cast %get3A_149 : vector<1x16xf32> to vector<16xf32>
      %add3A_151 = arith.addf %add3A_131, %get3A_150 : vector<16xf32>
      %get3A_152 = arith.index_cast %scan3A_123 : i32 to index
      %get3A_153 = arith.constant 80 : index
      %get3A_154 = tpu.vector_load %arg5[%get3A_152, %get3A_153] {strides = array<i32>} : memref<64x512xf32, #tpu.memory_space<vmem>>, vector<1x16xf32>,
      %get3A_155 = vector.shape_cast %get3A_154 : vector<1x16xf32> to vector<16xf32>
      %add3A_156 = arith.addf %add3A_136, %get3A_155 : vector<16xf32>
      %get3A_157 = arith.index_cast %scan3A_123 : i32 to index
      %get3A_158 = arith.constant 96 : index
      %get3A_159 = tpu.vector_load %arg5[%get3A_157, %get3A_158] {strides = array<i32>} : memref<64x512xf32, #tpu.memory_space<vmem>>, vector<1x16xf32>,
      %get3A_160 = vector.shape_cast %get3A_159 : vector<1x16xf32> to vector<16xf32>
      %add3A_161 = arith.addf %add3A_141, %get3A_160 : vector<16xf32>
      %get3A_162 = arith.index_cast %scan3A_123 : i32 to index
      %get3A_163 = arith.constant 112 : index
      %get3A_164 = tpu.vector_load %arg5[%get3A_162, %get3A_163] {strides = array<i32>} : memref<64x512xf32, #tpu.memory_space<vmem>>, vector<1x16xf32>,
      %get3A_165 = vector.shape_cast %get3A_164 : vector<1x16xf32> to vector<16xf32>
      %add3A_166 = arith.addf %add3A_146, %get3A_165 : vector<16xf32>
      %get3A_167 = arith.index_cast %scan3A_123 : i32 to index
      %get3A_168 = arith.constant 128 : index
      %get3A_169 = tpu.vector_load %arg5[%get3A_167, %get3A_168] {strides = array<i32>} : memref<64x512xf32, #tpu.memory_space<vmem>>, vector<1x16xf32>,
      %get3A_170 = vector.shape_cast %get3A_169 : vector<1x16xf32> to vector<16xf32>
      %add3A_171 = arith.addf %add3A_151, %get3A_170 : vector<16xf32>
      %get3A_172 = arith.index_cast %scan3A_123 : i32 to index
      %get3A_173 = arith.constant 144 : index
      %get3A_174 = tpu.vector_load %arg5[%get3A_172, %get3A_173] {strides = array<i32>} : memref<64x512xf32, #tpu.memory_space<vmem>>, vector<1x16xf32>,
      %get3A_175 = vector.shape_cast %get3A_174 : vector<1x16xf32> to vector<16xf32>
      %add3A_176 = arith.addf %add3A_156, %get3A_175 : vector<16xf32>
      %get3A_177 = arith.index_cast %scan3A_123 : i32 to index
      %get3A_178 = arith.constant 160 : index
      %get3A_179 = tpu.vector_load %arg5[%get3A_177, %get3A_178] {strides = array<i32>} : memref<64x512xf32, #tpu.memory_space<vmem>>, vector<1x16xf32>,
      %get3A_180 = vector.shape_cast %get3A_179 : vector<1x16xf32> to vector<16xf32>
      %add3A_181 = arith.addf %add3A_161, %get3A_180 : vector<16xf32>
      %get3A_182 = arith.index_cast %scan3A_123 : i32 to index
      %get3A_183 = arith.constant 176 : index
      %get3A_184 = tpu.vector_load %arg5[%get3A_182, %get3A_183] {strides = array<i32>} : memref<64x512xf32, #tpu.memory_space<vmem>>, vector<1x16xf32>,
      %get3A_185 = vector.shape_cast %get3A_184 : vector<1x16xf32> to vector<16xf32>
      %add3A_186 = arith.addf %add3A_166, %get3A_185 : vector<16xf32>
      %get3A_187 = arith.index_cast %scan3A_123 : i32 to index
      %get3A_188 = arith.constant 192 : index
      %get3A_189 = tpu.vector_load %arg5[%get3A_187, %get3A_188] {strides = array<i32>} : memref<64x512xf32, #tpu.memory_space<vmem>>, vector<1x16xf32>,
      %get3A_190 = vector.shape_cast %get3A_189 : vector<1x16xf32> to vector<16xf32>
      %add3A_191 = arith.addf %add3A_171, %get3A_190 : vector<16xf32>
      %get3A_192 = arith.index_cast %scan3A_123 : i32 to index
      %get3A_193 = arith.constant 208 : index
      %get3A_194 = tpu.vector_load %arg5[%get3A_192, %get3A_193] {strides = array<i32>} : memref<64x512xf32, #tpu.memory_space<vmem>>, vector<1x16xf32>,
      %get3A_195 = vector.shape_cast %get3A_194 : vector<1x16xf32> to vector<16xf32>
      %add3A_196 = arith.addf %add3A_176, %get3A_195 : vector<16xf32>
      %get3A_197 = arith.index_cast %scan3A_123 : i32 to index
      %get3A_198 = arith.constant 224 : index
      %get3A_199 = tpu.vector_load %arg5[%get3A_197, %get3A_198] {strides = array<i32>} : memref<64x512xf32, #tpu.memory_space<vmem>>, vector<1x16xf32>,
      %get3A_200 = vector.shape_cast %get3A_199 : vector<1x16xf32> to vector<16xf32>
      %add3A_201 = arith.addf %add3A_181, %get3A_200 : vector<16xf32>
      %get3A_202 = arith.index_cast %scan3A_123 : i32 to index
      %get3A_203 = arith.constant 240 : index
      %get3A_204 = tpu.vector_load %arg5[%get3A_202, %get3A_203] {strides = array<i32>} : memref<64x512xf32, #tpu.memory_space<vmem>>, vector<1x16xf32>,
      %get3A_205 = vector.shape_cast %get3A_204 : vector<1x16xf32> to vector<16xf32>
      %add3A_206 = arith.addf %add3A_186, %get3A_205 : vector<16xf32>
      %get3A_207 = arith.index_cast %scan3A_123 : i32 to index
      %get3A_208 = arith.constant 256 : index
      %get3A_209 = tpu.vector_load %arg5[%get3A_207, %get3A_208] {strides = array<i32>} : memref<64x512xf32, #tpu.memory_space<vmem>>, vector<1x16xf32>,
      %get3A_210 = vector.shape_cast %get3A_209 : vector<1x16xf32> to vector<16xf32>
      %add3A_211 = arith.addf %add3A_191, %get3A_210 : vector<16xf32>
      %get3A_212 = arith.index_cast %scan3A_123 : i32 to index
      %get3A_213 = arith.constant 272 : index
      %get3A_214 = tpu.vector_load %arg5[%get3A_212, %get3A_213] {strides = array<i32>} : memref<64x512xf32, #tpu.memory_space<vmem>>, vector<1x16xf32>,
      %get3A_215 = vector.shape_cast %get3A_214 : vector<1x16xf32> to vector<16xf32>
      %add3A_216 = arith.addf %add3A_196, %get3A_215 : vector<16xf32>
      %get3A_217 = arith.index_cast %scan3A_123 : i32 to index
      %get3A_218 = arith.constant 288 : index
      %get3A_219 = tpu.vector_load %arg5[%get3A_217, %get3A_218] {strides = array<i32>} : memref<64x512xf32, #tpu.memory_space<vmem>>, vector<1x16xf32>,
      %get3A_220 = vector.shape_cast %get3A_219 : vector<1x16xf32> to vector<16xf32>
      %add3A_221 = arith.addf %add3A_201, %get3A_220 : vector<16xf32>
      %get3A_222 = arith.index_cast %scan3A_123 : i32 to index
      %get3A_223 = arith.constant 304 : index
      %get3A_224 = tpu.vector_load %arg5[%get3A_222, %get3A_223] {strides = array<i32>} : memref<64x512xf32, #tpu.memory_space<vmem>>, vector<1x16xf32>,
      %get3A_225 = vector.shape_cast %get3A_224 : vector<1x16xf32> to vector<16xf32>
      %add3A_226 = arith.addf %add3A_206, %get3A_225 : vector<16xf32>
      %get3A_227 = arith.index_cast %scan3A_123 : i32 to index
      %get3A_228 = arith.constant 320 : index
      %get3A_229 = tpu.vector_load %arg5[%get3A_227, %get3A_228] {strides = array<i32>} : memref<64x512xf32, #tpu.memory_space<vmem>>, vector<1x16xf32>,
      %get3A_230 = vector.shape_cast %get3A_229 : vector<1x16xf32> to vector<16xf32>
      %add3A_231 = arith.addf %add3A_211, %get3A_230 : vector<16xf32>
      %get3A_232 = arith.index_cast %scan3A_123 : i32 to index
      %get3A_233 = arith.constant 336 : index
      %get3A_234 = tpu.vector_load %arg5[%get3A_232, %get3A_233] {strides = array<i32>} : memref<64x512xf32, #tpu.memory_space<vmem>>, vector<1x16xf32>,
      %get3A_235 = vector.shape_cast %get3A_234 : vector<1x16xf32> to vector<16xf32>
      %add3A_236 = arith.addf %add3A_216, %get3A_235 : vector<16xf32>
      %get3A_237 = arith.index_cast %scan3A_123 : i32 to index
      %get3A_238 = arith.constant 352 : index
      %get3A_239 = tpu.vector_load %arg5[%get3A_237, %get3A_238] {strides = array<i32>} : memref<64x512xf32, #tpu.memory_space<vmem>>, vector<1x16xf32>,
      %get3A_240 = vector.shape_cast %get3A_239 : vector<1x16xf32> to vector<16xf32>
      %add3A_241 = arith.addf %add3A_221, %get3A_240 : vector<16xf32>
      %get3A_242 = arith.index_cast %scan3A_123 : i32 to index
      %get3A_243 = arith.constant 368 : index
      %get3A_244 = tpu.vector_load %arg5[%get3A_242, %get3A_243] {strides = array<i32>} : memref<64x512xf32, #tpu.memory_space<vmem>>, vector<1x16xf32>,
      %get3A_245 = vector.shape_cast %get3A_244 : vector<1x16xf32> to vector<16xf32>
      %add3A_246 = arith.addf %add3A_226, %get3A_245 : vector<16xf32>
      %get3A_247 = arith.index_cast %scan3A_123 : i32 to index
      %get3A_248 = arith.constant 384 : index
      %get3A_249 = tpu.vector_load %arg5[%get3A_247, %get3A_248] {strides = array<i32>} : memref<64x512xf32, #tpu.memory_space<vmem>>, vector<1x16xf32>,
      %get3A_250 = vector.shape_cast %get3A_249 : vector<1x16xf32> to vector<16xf32>
      %add3A_251 = arith.addf %add3A_231, %get3A_250 : vector<16xf32>
      %get3A_252 = arith.index_cast %scan3A_123 : i32 to index
      %get3A_253 = arith.constant 400 : index
      %get3A_254 = tpu.vector_load %arg5[%get3A_252, %get3A_253] {strides = array<i32>} : memref<64x512xf32, #tpu.memory_space<vmem>>, vector<1x16xf32>,
      %get3A_255 = vector.shape_cast %get3A_254 : vector<1x16xf32> to vector<16xf32>
      %add3A_256 = arith.addf %add3A_236, %get3A_255 : vector<16xf32>
      %get3A_257 = arith.index_cast %scan3A_123 : i32 to index
      %get3A_258 = arith.constant 416 : index
      %get3A_259 = tpu.vector_load %arg5[%get3A_257, %get3A_258] {strides = array<i32>} : memref<64x512xf32, #tpu.memory_space<vmem>>, vector<1x16xf32>,
      %get3A_260 = vector.shape_cast %get3A_259 : vector<1x16xf32> to vector<16xf32>
      %add3A_261 = arith.addf %add3A_241, %get3A_260 : vector<16xf32>
      %get3A_262 = arith.index_cast %scan3A_123 : i32 to index
      %get3A_263 = arith.constant 432 : index
      %get3A_264 = tpu.vector_load %arg5[%get3A_262, %get3A_263] {strides = array<i32>} : memref<64x512xf32, #tpu.memory_space<vmem>>, vector<1x16xf32>,
      %get3A_265 = vector.shape_cast %get3A_264 : vector<1x16xf32> to vector<16xf32>
      %add3A_266 = arith.addf %add3A_246, %get3A_265 : vector<16xf32>
      %get3A_267 = arith.index_cast %scan3A_123 : i32 to index
      %get3A_268 = arith.constant 448 : index
      %get3A_269 = tpu.vector_load %arg5[%get3A_267, %get3A_268] {strides = array<i32>} : memref<64x512xf32, #tpu.memory_space<vmem>>, vector<1x16xf32>,
      %get3A_270 = vector.shape_cast %get3A_269 : vector<1x16xf32> to vector<16xf32>
      %add3A_271 = arith.addf %add3A_251, %get3A_270 : vector<16xf32>
      %get3A_272 = arith.index_cast %scan3A_123 : i32 to index
      %get3A_273 = arith.constant 464 : index
      %get3A_274 = tpu.vector_load %arg5[%get3A_272, %get3A_273] {strides = array<i32>} : memref<64x512xf32, #tpu.memory_space<vmem>>, vector<1x16xf32>,
      %get3A_275 = vector.shape_cast %get3A_274 : vector<1x16xf32> to vector<16xf32>
      %add3A_276 = arith.addf %add3A_256, %get3A_275 : vector<16xf32>
      %get3A_277 = arith.index_cast %scan3A_123 : i32 to index
      %get3A_278 = arith.constant 480 : index
      %get3A_279 = tpu.vector_load %arg5[%get3A_277, %get3A_278] {strides = array<i32>} : memref<64x512xf32, #tpu.memory_space<vmem>>, vector<1x16xf32>,
      %get3A_280 = vector.shape_cast %get3A_279 : vector<1x16xf32> to vector<16xf32>
      %add3A_281 = arith.addf %add3A_261, %get3A_280 : vector<16xf32>
      %get3A_282 = arith.index_cast %scan3A_123 : i32 to index
      %get3A_283 = arith.constant 496 : index
      %get3A_284 = tpu.vector_load %arg5[%get3A_282, %get3A_283] {strides = array<i32>} : memref<64x512xf32, #tpu.memory_space<vmem>>, vector<1x16xf32>,
      %get3A_285 = vector.shape_cast %get3A_284 : vector<1x16xf32> to vector<16xf32>
      %add3A_286 = arith.addf %add3A_266, %get3A_285 : vector<16xf32>
      scf.yield %add3A_271, %add3A_276, %add3A_281, %add3A_286 : vector<16xf32>, vector<16xf32>, vector<16xf32>, vector<16xf32>
    }
    %scan3A_116 = arith.constant 64 : i32
    %add3A_117 = arith.addf %scan3A_115#0, %scan3A_115#1 : vector<16xf32>
    %add3A_118 = arith.addf %scan3A_115#2, %scan3A_115#3 : vector<16xf32>
    %add3A_119 = arith.addf %add3A_117, %add3A_118 : vector<16xf32>
    %swap3A = arith.constant 0 : index
    %swap3A_120 = tpu.vector_load %arg6[%swap3A] {strides = array<i32>} : memref<16xf32, #tpu.memory_space<vmem>>, vector<16xf32>,
    %swap3A_121 = vector.shape_cast %swap3A_120 : vector<16xf32> to vector<16xf32>
    %swap3A_122 = vector.shape_cast %add3A_119 : vector<16xf32> to vector<16xf32>
    tpu.vector_store %arg6[%swap3A], %swap3A_122 {strides = array<i32>} : memref<16xf32, #tpu.memory_space<vmem>>, vector<16xf32>,
    "tpu.region"() ({
      %run_scoped3A = tpu.sem_alloc : memref<!tpu.dma_semaphore, #tpu.memory_space<semaphore_mem>>
      %dma_start3A_123 = arith.constant 0 : i32
      %dma_start3A_124 = tpu.memref_slice %arg3[%add3A, %dma_start3A_123] : memref<32x16xf32, #tpu.memory_space<hbm>> -> memref<1x16xf32, #tpu.memory_space<hbm>>
      %dma_start3A_125 = tpu.memref_squeeze %dma_start3A_124 : memref<1x16xf32, #tpu.memory_space<hbm>> -> memref<16xf32, #tpu.memory_space<hbm>>
      %dma_start3A_126 = arith.constant 0 : i32
      %dma_start3A_127 = tpu.memref_slice %arg3[%add3A, %dma_start3A_126] : memref<32x16xf32, #tpu.memory_space<hbm>> -> memref<1x16xf32, #tpu.memory_space<hbm>>
      %dma_start3A_128 = tpu.memref_squeeze %dma_start3A_127 : memref<1x16xf32, #tpu.memory_space<hbm>> -> memref<16xf32, #tpu.memory_space<hbm>>
      tpu.enqueue_dma source(%arg6 : memref<16xf32, #tpu.memory_space<vmem>>) target(%dma_start3A_128 : memref<16xf32, #tpu.memory_space<hbm>>) target_semaphore(%run_scoped3A : memref<!tpu.dma_semaphore, #tpu.memory_space<semaphore_mem>>)
      %dma_wait3A_129 = arith.constant 0 : i32
      %dma_wait3A_130 = tpu.memref_slice %arg3[%add3A, %dma_wait3A_129] : memref<32x16xf32, #tpu.memory_space<hbm>> -> memref<1x16xf32, #tpu.memory_space<hbm>>
      %dma_wait3A_131 = tpu.memref_squeeze %dma_wait3A_130 : memref<1x16xf32, #tpu.memory_space<hbm>> -> memref<16xf32, #tpu.memory_space<hbm>>
      %dma_wait3A_132 = arith.constant 0 : i32
      %dma_wait3A_133 = tpu.memref_slice %arg3[%add3A, %dma_wait3A_132] : memref<32x16xf32, #tpu.memory_space<hbm>> -> memref<1x16xf32, #tpu.memory_space<hbm>>
      %dma_wait3A_134 = tpu.memref_squeeze %dma_wait3A_133 : memref<1x16xf32, #tpu.memory_space<hbm>> -> memref<16xf32, #tpu.memory_space<hbm>>
      tpu.wait_dma2 semaphore(%run_scoped3A : memref<!tpu.dma_semaphore, #tpu.memory_space<semaphore_mem>>) src(%arg6 : memref<16xf32, #tpu.memory_space<vmem>>) dst(%dma_wait3A_134 : memref<16xf32, #tpu.memory_space<hbm>>)
      tpu.yield
    }) : () -> ()
    return
  }
}

module attributes {stable_mosaic.version = 14 : i64} {
  func.func @_tc_body(%arg0: i32, %arg1: i32, %arg2: memref<1x7x512x512xf32, #tpu.memory_space<vmem>>, %arg3: memref<1x1xf32, #tpu.memory_space<smem>>, %arg4: memref<8x512xf32, #tpu.memory_space<vmem>>) attributes {dimension_semantics = [#tpu.dimension_semantics<arbitrary>, #tpu.dimension_semantics<arbitrary>], iteration_bounds = array<i64: 4, 2>, scalar_prefetch = 0 : i64, scratch_operands = 1 : i64, tpu.core_type = #tpu.core_type<tc>, window_params = [{transform_indices = @transform_0, window_bounds = array<i64: 1, 7, 512, 512>}, {transform_indices = @transform_1, window_bounds = array<i64: 1, 1>}]} {
    %eq3A = arith.constant 0 : i32
    %eq3A_0 = arith.cmpi eq, %arg0, %eq3A : i32
    %eq3A_1 = arith.constant 0 : i32
    %eq3A_2 = arith.cmpi eq, %arg1, %eq3A_1 : i32
    %and3A = arith.andi %eq3A_0, %eq3A_2 : i1
    %convert_element_type3A = arith.extui %and3A : i1 to i32
    %cond3A = arith.constant 0 : i32
    %cond3A_3 = arith.cmpi ne, %convert_element_type3A, %cond3A : i32
    scf.if %cond3A_3 {
      %broadcast_in_dim3A = arith.constant 0.000000e+00 : f32
      %broadcast_in_dim3A_22 = vector.broadcast %broadcast_in_dim3A : f32 to vector<8x512xf32>
      %swap3A_23 = arith.constant 0 : index
      %swap3A_24 = arith.constant 0 : index
      %swap3A_25 = vector.load %arg4[%swap3A_23, %swap3A_24] : memref<8x512xf32, #tpu.memory_space<vmem>>, vector<8x512xf32>
      tpu.vector_store %arg4[%swap3A_23, %swap3A_24], %broadcast_in_dim3A_22 {strides = array<i32>} : memref<8x512xf32, #tpu.memory_space<vmem>>, vector<8x512xf32>,
    } else {
    }
    %get3A = arith.constant 0 : index
    %get3A_4 = arith.constant 0 : index
    %get3A_5 = arith.constant 0 : index
    %get3A_6 = arith.constant 0 : index
    %get3A_7 = vector.load %arg2[%get3A, %get3A_4, %get3A_5, %get3A_6] : memref<1x7x512x512xf32, #tpu.memory_space<vmem>>, vector<1x7x512x512xf32>
    %reshape3A = vector.shape_cast %get3A_7 : vector<1x7x512x512xf32> to vector<448x8x512xf32>
    %get3A_8 = arith.constant 0 : index
    %get3A_9 = arith.constant 0 : index
    %get3A_10 = vector.load %arg4[%get3A_8, %get3A_9] : memref<8x512xf32, #tpu.memory_space<vmem>>, vector<8x512xf32>
    %reduce_sum3A = arith.constant dense<0.000000e+00> : vector<8x512xf32>
    %reduce_sum3A_11 = vector.multi_reduction <add>, %reshape3A, %reduce_sum3A [0] : vector<448x8x512xf32> to vector<8x512xf32>
    %add3A = arith.addf %get3A_10, %reduce_sum3A_11 : vector<8x512xf32>
    %swap3A = arith.constant 0 : index
    %swap3A_12 = arith.constant 0 : index
    %swap3A_13 = vector.load %arg4[%swap3A, %swap3A_12] : memref<8x512xf32, #tpu.memory_space<vmem>>, vector<8x512xf32>
    tpu.vector_store %arg4[%swap3A, %swap3A_12], %add3A {strides = array<i32>} : memref<8x512xf32, #tpu.memory_space<vmem>>, vector<8x512xf32>,
    %eq3A_14 = arith.constant 3 : i32
    %eq3A_15 = arith.cmpi eq, %arg0, %eq3A_14 : i32
    %eq3A_16 = arith.constant 1 : i32
    %eq3A_17 = arith.cmpi eq, %arg1, %eq3A_16 : i32
    %and3A_18 = arith.andi %eq3A_15, %eq3A_17 : i1
    %convert_element_type3A_19 = arith.extui %and3A_18 : i1 to i32
    %cond3A_20 = arith.constant 0 : i32
    %cond3A_21 = arith.cmpi ne, %convert_element_type3A_19, %cond3A_20 : i32
    scf.if %cond3A_21 {
      %get3A_22 = arith.constant 0 : index
      %get3A_23 = arith.constant 0 : index
      %get3A_24 = vector.load %arg4[%get3A_22, %get3A_23] : memref<8x512xf32, #tpu.memory_space<vmem>>, vector<8x512xf32>
      %reduce_sum3A_25 = vector.shape_cast %get3A_24 : vector<8x512xf32> to vector<1x8x512xf32>
      %reduce_sum3A_26 = arith.constant dense<0.000000e+00> : vector<1xf32>
      %reduce_sum3A_27 = vector.multi_reduction <add>, %reduce_sum3A_25, %reduce_sum3A_26 [1, 2] : vector<1x8x512xf32> to vector<1xf32>
      %reduce_sum3A_28 = vector.shape_cast %reduce_sum3A_27 : vector<1xf32> to vector<1x1x1xf32>
      %reduce_sum3A_29 = vector.extract %reduce_sum3A_28[0, 0, 0] : f32 from vector<1x1x1xf32>
      %swap3A_30 = arith.constant 0 : index
      %swap3A_31 = arith.constant 0 : index
      %swap3A_32 = memref.load %arg3[%swap3A_30, %swap3A_31] : memref<1x1xf32, #tpu.memory_space<smem>>
      memref.store %reduce_sum3A_29, %arg3[%swap3A_30, %swap3A_31] : memref<1x1xf32, #tpu.memory_space<smem>>
    } else {
    }
    return
  }
  func.func @transform_0(%arg0: i32, %arg1: i32) -> (i32, i32, i32, i32) {
    %c0_i32 = arith.constant 0 : i32
    %c0_i32_0 = arith.constant 0 : i32
    %c0_i32_1 = arith.constant 0 : i32
    return %arg0, %arg1, %c0_i32, %c0_i32_0 : i32, i32, i32, i32
  }
  func.func @transform_1(%arg0: i32, %arg1: i32) -> (i32, i32) {
    %c0_i32 = arith.constant 0 : i32
    %c0_i32_0 = arith.constant 0 : i32
    %c0_i32_1 = arith.constant 0 : i32
    return %c0_i32, %c0_i32_0 : i32, i32
  }
}

</mosaic_0001>

<sc_bundles>
// kernel: kernel.4.cloned.1.call-start
scs
__scs_entry_jumppad:
0x0: {  	(pc) =	sbr.rel $0x88, $3  }
0x1: {  	(tag) =	ssettag $0x0;
	lr =	simm.s32 $0x1  }
0x2: {  	[smem:$0x3FA0] =	sst lr;
	_ =	strace $0xD0000000  }
0x3: {  	_ = 	snop  }
0x4: {  	_ = 	snop  }
0x5: {  	_ = 	snop  }
0x6: {  	_ = 	snop  }
0x7: {  	_ = 	snop  }
__scs_overlays_trampoline_lowered:
0x8: {  	[smem:$0x3FAF] =	sst s0  }
0x9: {  	[smem:$0x3FB0] =	sst s1  }
0xa: {  	[smem:$0x3FB1] =	sst s2  }
0xb: {  	[smem:$0x3FB2] =	sst s3  }
0xc: {  	[smem:$0x3FB3] =	sst s4  }
0xd: {  	[smem:$0x3FB4] =	sst s5  }
0xe: {  	[smem:$0x3FB5] =	sst s6  }
0xf: {  	[smem:$0x3FB6] =	sst s7  }
0x10: {  	[smem:$0x3FB7] =	sst s8  }
0x11: {  	[smem:$0x3FB8] =	sst s9;
	s0 =	simm.s32 @!p0 $0x0  }
0x12: {  	s1 =	sld [smem:$0x3F9E];
	s0 =	simm.s32 @p0 $0x1  }
0x13: {  	[smem:$0x3FB9] =	sst s0;
	s0 =	simm.s32 @!p1 $0x0  }
0x14: {  	s2 =	sld [smem:$0x3F9D];
	s0 =	simm.s32 @p1 $0x1  }
0x15: {  	[smem:$0x3FBA] =	sst s0;
	s0 =	simm.s32 @!p2 $0x0  }
0x16: {  	s3 =	sld [smem:$0x3FDB];
	s0 =	simm.s32 @p2 $0x1  }
0x17: {  	s4 =	simm.s32 $0x1BF5;
	[smem:$0x3FBC] =	sst s0  }
0x18: {  	s0 =	sld [smem:$0x3F9F];
	_ =	swait.ge [sflag:s4], $0x0  }
0x19: {  	s7 =	sld [smem:$0x3FA0]  }
0x1a: {  	s8 =	sadd.s32 $0xFFFFE003, lr  }
0x1b: {  	s9 =	sadd.s32 $0xFFFFFEF7, lr;
	s5 =	simm.s32 $0xFFFFFFFF;
	p2 =	slt.u32 s8, $0xFFFFF086  }
0x1c: {  	p1 =	slt.u32 s9, $0xF7A;
	s5 =	simm.s32 @!p2 $0x0  }
0x1d: {  	s5 =	simm.s32 @p1 $0x1;
	p0 =	seq.s32 s7, s2  }
0x1e: {  	s7 =	smul.u32 @!p0 $0xF7A, s2;
	p2 =	seq.s32 @!p0 s5, $0x0  }
0x1f: {  	s9 =	smul.u32 $0xF7A, s1;
	s8 =	simm.s32 @!p0 $0x1BF5;
	p2 =	por !p2, p0  }
0x20: {  	[sflag:s8] =	ssyncset.s32 @!p0 $0xFFFFF086;
	s6 =	sadd.s32 @!p0 s3, s7;
	s7 =	simm.s32 @!p0 $0x108  }
0x21: {  	s3 =	sadd.s32 s3, s9;
	s6 =	sadd.s32 @!p0 $0x88, s6;
	s7 =	simm.s32 @p2 $0x1082  }
0x22: {  	[simem:s7], [sflag:s8] =	dma.local @!p0 [hbm:s6], $0xF7A  }
0x23: {  	s9 =	sor.u32 $0xD0000000, s2;
	s6 =	simm.s32 $0x108;
	_ =	swait.ge @!p0 [sflag:s8], $0x0  }
0x24: {  	s3 =	sadd.s32 $0x88, s3;
	s6 =	simm.s32 @!p1 $0x1082;
	[sflag:s4] =	ssyncset.s32 $0xFFFFF086  }
0x25: {  	[simem:s6], [sflag:s4] =	dma.local [hbm:s3], $0xF7A  }
0x26: {  	[smem:$0x3FA0] =	sst s1;
	(tag) =	ssettag s2;
	_ =	strace s9  }
0x27: {  	s1 =	sld [smem:$0x3FB0]  }
0x28: {  	s2 =	sld [smem:$0x3FB1]  }
0x29: {  	s4 =	sld [smem:$0x3FB3]  }
0x2a: {  	p0 =	seq.s32 s5, $0x0;
	s5 =	sld [smem:$0x3FB4]  }
0x2b: {  	s6 =	sld [smem:$0x3FB5]  }
0x2c: {  	s7 =	sld [smem:$0x3FB6]  }
0x2d: {  	s3 =	simm.s32 $0x108;
	s8 =	sld [smem:$0x3FB7]  }
0x2e: {  	s3 =	simm.s32 @!p0 $0x1082;
	s9 =	sld [smem:$0x3FB8]  }
0x2f: {  	lr =	sadd.s32 s0, s3;
	s0 =	sld [smem:$0x3FAF]  }
0x30: {  	s3 =	sld [smem:$0x3FB2]  }
0x31: {  	[smem:$0x3FBB] =	sst s10  }
0x32: {  	s10 =	sld [smem:$0x3FB9];
	_ =	sdelay $0x3  }
0x33: {  	p0 =	seq.s32 s10, $0x1;
	s10 =	sld [smem:$0x3FBB];
	_ =	sdelay $0x3  }
0x34: {  	[smem:$0x3FBB] =	sst s10  }
0x35: {  	s10 =	sld [smem:$0x3FBA];
	_ =	sdelay $0x3  }
0x36: {  	p1 =	seq.s32 s10, $0x1;
	s10 =	sld [smem:$0x3FBB];
	_ =	sdelay $0x3  }
0x37: {  	[smem:$0x3FBB] =	sst s10  }
0x38: {  	s10 =	sld [smem:$0x3FBC]  }
0x39: {  	_ = 	snop;
	(pc) =	sbr.ind lr, $3  }
0x3a: {  	_ = 	snop  }
0x3b: {  	_ = 	snop  }
0x3c: {  	p2 =	seq.s32 s10, $0x1;
	s10 =	sld [smem:$0x3FBB]  }
0x3d: {  	_ =	shalt  }
0x3e: {  	_ =	shalt  }
0x3f: {  	_ =	shalt  }
0x40: {  	_ =	shalt  }
0x41: {  	_ =	shalt  }
0x42: {  	_ =	shalt  }
0x43: {  	_ =	shalt  }
0x44: {  	_ =	shalt  }
0x45: {  	_ =	shalt  }
0x46: {  	_ =	shalt  }
0x47: {  	_ =	shalt  }
0x48: {  	_ =	shalt  }
0x49: {  	_ =	shalt  }
0x4a: {  	_ =	shalt  }
0x4b: {  	_ =	shalt  }
0x4c: {  	_ =	shalt  }
0x4d: {  	_ =	shalt  }
0x4e: {  	_ =	shalt  }
0x4f: {  	_ =	shalt  }
0x50: {  	_ =	shalt  }
0x51: {  	_ =	shalt  }
0x52: {  	_ =	shalt  }
0x53: {  	_ =	shalt  }
0x54: {  	_ =	shalt  }
0x55: {  	_ =	shalt  }
0x56: {  	_ =	shalt  }
0x57: {  	_ =	shalt  }
0x58: {  	_ =	shalt  }
0x59: {  	_ =	shalt  }
0x5a: {  	_ =	shalt  }
0x5b: {  	_ =	shalt  }
0x5c: {  	_ =	shalt  }
0x5d: {  	_ =	shalt  }
0x5e: {  	_ =	shalt  }
0x5f: {  	_ =	shalt  }
0x60: {  	_ =	shalt  }
0x61: {  	_ =	shalt  }
0x62: {  	_ =	shalt  }
0x63: {  	_ =	shalt  }
0x64: {  	_ =	shalt  }
0x65: {  	_ =	shalt  }
0x66: {  	_ =	shalt  }
0x67: {  	_ =	shalt  }
0x68: {  	_ =	shalt  }
0x69: {  	_ =	shalt  }
0x6a: {  	_ =	shalt  }
0x6b: {  	_ =	shalt  }
0x6c: {  	_ =	shalt  }
0x6d: {  	_ =	shalt  }
0x6e: {  	_ =	shalt  }
0x6f: {  	_ =	shalt  }
0x70: {  	_ =	shalt  }
0x71: {  	_ =	shalt  }
0x72: {  	_ =	shalt  }
0x73: {  	_ =	shalt  }
0x74: {  	_ =	shalt  }
0x75: {  	_ =	shalt  }
0x76: {  	_ =	shalt  }
0x77: {  	_ =	shalt  }
0x78: {  	_ =	shalt  }
0x79: {  	_ =	shalt  }
0x7a: {  	_ =	shalt  }
0x7b: {  	_ =	shalt  }
0x7c: {  	_ =	shalt  }
0x7d: {  	_ =	shalt  }
0x7e: {  	_ =	shalt  }
0x7f: {  	_ =	shalt  }
0x80: {  	_ =	shalt  }
0x81: {  	_ =	shalt  }
0x82: {  	_ =	shalt  }
0x83: {  	_ =	shalt  }
0x84: {  	_ =	shalt  }
0x85: {  	_ =	shalt  }
0x86: {  	_ =	shalt  }
0x87: {  	_ =	shalt  }
.Lfunc_end0:
.L_simem_size_0:
called_computation_lowered:
.L_overlay_start_0:
0x88: {  	s2 =	sld [smem:$0x3FD9]  }
0x89: {  	s3 =	sld [smem:$0x3FFE];
	_ =	sdelay $0x1  }
0x8a: {  	s1 =	srdreg.scid  }
0x8b: {  	s0 =	sand.u32 $0x1, s1  }
0x8c: {  	s17 =	sshll.u32 s0, $0xA;
	s2 =	sadd.s32 s3, s2  }
0x8d: {  	s2 =	sadd.s32 s2, s17  }
0x8e: {  	[smem:$0x3FC7] =	sst s2  }
0x8f: {  	_ = 	snop  }
0x90: {  	s2 =	sld [smem:$0x3FC9];
	(tm) =	ssettm $0x1  }
0x91: {  	s18 =	sld [smem:$0x3FFB];
	_ =	sdelay $0x3  }
0x92: {  	_ =	strace s18  }
0x93: {  	s3 =	sld [smem:$0x3FFC];
	_ =	sdelay $0x3  }
0x94: {  	_ =	strace s3  }
0x95: {  	s3 =	sld [smem:$0x3FFD];
	_ =	sdelay $0x3  }
0x96: {  	_ =	strace s3  }
0x97: {  	_ =	strace $0x8FFFFFFF  }
0x98: {  	s19 =	sld [smem:$0x3FDB];
	_ =	sdelay $0x1  }
0x99: {  	s4 =	simm.s32 $_scs_section_size  }
0x9a: {  	s5 =	simm.s32 $_size__tile_overlayer_lowered;
	s6 =	simm.s32 $_tile_overlayer_lowered  }
0x9b: {  	s22 =	simm.s32 $0x1BFF;
	s21 =	sshll.u32 s6, $0x1;
	s3 =	sadd.s32 s4, s19  }
0x9c: {  	s7 =	simm.s32 $0x0;
	s20 =	sshll.u32 s5, $0x1;
	s5 =	sadd.s32 s21, s3  }
0x9d: {  	[timem:s7], [sflag:s22] =	dma.local [hbm:s5], s20  }
0x9e: {  	_ =	swait.ge [sflag:s22], s20  }
0x9f: {  	s4 =	ssub.s32 $0x0, s20;
	[sflag:s22] =	ssyncset.done $0x0  }
0xa0: {  	[sflag:s22] =	ssyncadd.s32 s4;
	_ =	sdelay $0x1  }
0xa1: {  	s23 =	simm.s32 $0x1B8B  }
0xa2: {  	_ =	swait.ge [sflag:s23], $0x1  }
0xa3: {  	[sflag:s23] =	ssyncset.done $0x0  }
0xa4: {  	s25 =	simm.s32 $0x1B8E;
	s24 =	sld [smem:$0x3FFE];
	[sflag:s23] =	ssyncadd.s32 $0xFFFFFFFF  }
0xa5: {  	s26 =	simm.s32 $execute0_lowered;
	[smem:$0x3FD2] =	sst s25  }
0xa6: {  	s5 =	sshll.u32 s26, $0x1;
	_ =	strace $0x80000046;
	[dreg:$0x1] =	wrdreg $0xFFFFFFFF  }
0xa7: {  	s28 =	simm.s32 $_size_execute0_lowered;
	s3 =	sadd.s32 s3, s5;
	[dreg:$0x0] =	wrdreg $0x0  }
0xa8: {  	s5 =	sshll.u32 s28, $0x1;
	[dreg:$0x2] =	wrdreg s3  }
0xa9: {  	[dreg:$0x3] =	wrdreg s5  }
0xaa: {  	[dreg:$0x4] =	wrdreg $0xC0  }
0xab: {  	_ =	task [dreg:s7], $0x5FFFF  }
0xac: {  	[dreg:$0x1] =	wrdreg $0xFFFFFFFF  }
0xad: {  	[dreg:$0x0] =	wrdreg $0x60  }
0xae: {  	[dreg:$0x2] =	wrdreg s2  }
0xaf: {  	[dreg:$0x3] =	wrdreg s24  }
0xb0: {  	[dreg:$0x4] =	wrdreg $0x9  }
0xb1: {  	_ =	task.clear_ibuf [dreg:s7], $0x5FFFF;
	_ =	strace $0x90000046  }
0xb2: {  	s29 =	simm.s32 $0x9;
	_ =	strace $0x80000048  }
0xb3: {  	_ =	swait.ge [sflag:s29], $0x1  }
0xb4: {  	[sflag:s29] =	ssyncadd.s32 $0xFFFFFFFF  }
0xb5: {  	_ =	strace $0x90000048  }
0xb6: {  	_ =	sfence  }
0xb7: {  	s30 =	sld [smem:$0x0];
	_ =	sdelay $0x2  }
0xb8: {  	s31 =	sshll.u32 s1, $0xD;
	s1 =	sshrl.u32 s1, $0x2  }
0xb9: {  	s3 =	sand.u32 $0x4000, s31;
	s1 =	sadd.s32 s1, s30  }
0xba: {  	s0 =	sor.u32 s3, s0;
	s1 =	sshll.u32 s1, $0x11  }
0xbb: {  	s0 =	sor.u32 s1, s0  }
0xbc: {  	s0 =	sadd.s32 $0x8F2B, s0  }
0xbd: {  	[sflag:s0] =	ssyncadd.remote.s32 $0x1  }
0xbe: {  	_ =	sfence.sel $0xFFFF  }
0xbf: {  	[dreg:$0x0] =	wrdreg $0xFFFFFFFF;
	(pc) =	sbr.abs _section_cstart, $3  }
0xc0: {  	[dreg:$0x1] =	wrdreg $0xFFFFFFFF  }
0xc1: {  	_ =	task.clear_ibuf [dreg:s7], $0x2FFFF;
	_ =	strace $0x9FFFFFFF  }
0xc2: {  	(tm) =	ssettm $0x7FFFFFFF  }
0xc3: {  	_ =	shalt  }
tec
execute0_lowered:
.L_overlay_start_1:
0x0: {  	(tag) =	ssettag $0x1  }
0x1: {  	s4 =	rddreg [dreg:$0x0]  }
0x2: {  	s5 =	rddreg [dreg:$0x1]  }
0x3: {  	s2 =	srdreg.scid;
	s1 =	stileid.u32  }
0x4: {  	s0 =	rddreg [dreg:$0x2];
	s10 =	simm.s32 $0x10000;
	s11 =	simm.s32 $0x3  }
0x5: {  	s12 =	simm.s32 $0x0;
	s3 =	sand.u32 $0x1, s2;
	s6 =	sshll.u32 s1, $0x1  }
0x6: {  	s2 =	simm.s32 $0x0;
	s7 =	sshll.u32 s1, $0xE;
	s8 =	sshll.u32 s1, $0x11  }
0x7: {  	s6 =	sor.u32 s3, s6;
	s7 =	sand.u32 $0x8000, s7;
	s3 =	ssub.s32 $0x2, s3  }
0x8: {  	[smem:$0x7FF] =	sst s2;
	s9 =	sshll.u32 s6, $0xD;
	s7 =	sor.u32 s7, s8  }
0x9: {  	s29 =	sshrl.u32 s3, $0x1;
	_ =	strace $0x80000047;
	s6 =	sshll.u32 s6, $0x4  }
0xa: {  	s8 =	simm.s32 $0x1;
	s28 =	sand.u32 $0x6000, s9;
	s30 =	ssub.s32 s3, s29  }
0xb: {  	s5 =	sadd.s32 s5, s6;
	s9 =	simm.s32 $0x2;
	s7 =	sor.u32 s28, s7  }
0xc: {  	s6 =	smax.u32 s30, $0x1;
	s31 =	sor.u32 $0x70000, s7;
	s7 =	sor.u32 $0x71000, s7  }
0xd: {  	s3 =	sadd.s32 s4, s31;
	s4 =	sadd.s32 s4, s7;
	s7 =	simm.s32 $0x8000  }
.LBB2_1:
0xe: {  	[tilespmem:s2], [sflag:$0x1] =	stream.linear.gather [hbm4b:s3+s2], $0x8000, $0x38;
	[tilespmem:$0x10080] =	vst v63  }
0xf: {  	_ = 	snop  }
0x10: {  	[tilespmem:s7], [sflag:$0x2] =	stream.linear.gather [hbm4b:s4+s2], $0x8000, $0x38;
	[tilespmem:$0x10080] =	vst v63  }
0x11: {  	_ =	swait.ge [sflag:s8], $0x8000  }
0x12: {  	s13 =	sand.u32 $0x7000, s2;
	s14 =	sand.u32 $0x380, s2;
	[sflag:s8] =	ssyncset.done $0x0  }
0x13: {  	s13 =	sor.u32 s14, s13;
	[sflag:s8] =	ssyncadd.s32 $0xFFFF8000  }
0x14: {  	v1 =	vld [tilespmem:s13+$0xC40]  }
0x15: {  	v4 =	vld [tilespmem:s13+$0xC50]  }
0x16: {  	v5 =	vld [tilespmem:s13+$0xC00]  }
0x17: {  	v6 =	vld [tilespmem:s13+$0xC10]  }
0x18: {  	v8 =	vld [tilespmem:s13+$0x840]  }
0x19: {  	v10 =	vld [tilespmem:s13+$0x850]  }
0x1a: {  	v12 =	vld [tilespmem:s13+$0x800]  }
0x1b: {  	v13 =	vld [tilespmem:s13+$0x810]  }
0x1c: {  	v14 =	vld [tilespmem:s13+$0x440]  }
0x1d: {  	v15 =	vld [tilespmem:s13+$0x450]  }
0x1e: {  	v9 =	vld [tilespmem:s13+$0x400]  }
0x1f: {  	v11 =	vld [tilespmem:s13+$0x410]  }
0x20: {  	v16 =	vld [tilespmem:s13+$0x40]  }
0x21: {  	v17 =	vld [tilespmem:s13+$0x50]  }
0x22: {  	v0 =	vimm.f32 $0.0e+00;
	v18 =	vld [tilespmem:s13+$0x0]  }
0x23: {  	v7 =	vimm.f32 $0.0e+00;
	v2 =	vimm.f32 $0.0e+00;
	v3 =	vimm.f32 $0.0e+00;
	s15 =	simm.s32 $0x0;
	s14 =	simm.s32 $0x200;
	v19 =	vld [tilespmem:s13+$0x10]  }
.LBB2_2:
0x24: {  	p0 =	sne.s32 s14, $0x7E00;
	v20 =	vld [tilespmem:s13+$0x20]  }
0x25: {  	v21 =	vld [tilespmem:s13+$0x30]  }
0x26: {  	v22 =	vld [tilespmem:s13+$0x60]  }
0x27: {  	v23 =	vld [tilespmem:s13+$0x70]  }
0x28: {  	v24 =	vld [tilespmem:s13+$0x420]  }
0x29: {  	v0 =	vadd.f32 v18, v0;
	v7 =	vadd.f32 v19, v7;
	v18 =	vld [tilespmem:s13+$0x430]  }
0x2a: {  	v2 =	vadd.f32 v20, v2;
	v3 =	vadd.f32 v21, v3;
	v19 =	vld [tilespmem:s13+$0x460]  }
0x2b: {  	v0 =	vadd.f32 v16, v0;
	v7 =	vadd.f32 v17, v7;
	v16 =	vld [tilespmem:s13+$0x470]  }
0x2c: {  	v2 =	vadd.f32 v22, v2;
	v3 =	vadd.f32 v23, v3;
	v17 =	vld [tilespmem:s13+$0x820]  }
0x2d: {  	v0 =	vadd.f32 v9, v0;
	v7 =	vadd.f32 v11, v7;
	v9 =	vld [tilespmem:s13+$0x830]  }
0x2e: {  	v2 =	vadd.f32 v24, v2;
	v3 =	vadd.f32 v18, v3;
	v11 =	vld [tilespmem:s13+$0x860]  }
0x2f: {  	v0 =	vadd.f32 v14, v0;
	v7 =	vadd.f32 v15, v7;
	v14 =	vld [tilespmem:s13+$0x870]  }
0x30: {  	v2 =	vadd.f32 v19, v2;
	v3 =	vadd.f32 v16, v3;
	v15 =	vld [tilespmem:s13+$0xC20]  }
0x31: {  	s15 =	sadd.s32 $0x80, s15;
	v0 =	vadd.f32 v12, v0;
	v7 =	vadd.f32 v13, v7;
	v12 =	vld [tilespmem:s13+$0xC30]  }
0x32: {  	s16 =	sand.u32 $0x7000, s14;
	s17 =	sand.u32 $0x380, s15;
	v2 =	vadd.f32 v17, v2;
	v3 =	vadd.f32 v9, v3;
	v9 =	vld [tilespmem:s13+$0xC60]  }
0x33: {  	v0 =	vadd.f32 v8, v0;
	v7 =	vadd.f32 v10, v7;
	v10 =	vld [tilespmem:s13+$0xC70];
	s13 =	sor.u32 s17, s16  }
0x34: {  	v2 =	vadd.f32 v11, v2;
	v13 =	vld [tilespmem:s13+$0xC40];
	v3 =	vadd.f32 v14, v3  }
0x35: {  	v0 =	vadd.f32 v5, v0;
	v7 =	vadd.f32 v6, v7;
	v11 =	vld [tilespmem:s13+$0xC50]  }
0x36: {  	v2 =	vadd.f32 v15, v2;
	v5 =	vld [tilespmem:s13+$0xC00];
	v3 =	vadd.f32 v12, v3  }
0x37: {  	v0 =	vadd.f32 v1, v0;
	v7 =	vadd.f32 v4, v7;
	v6 =	vld [tilespmem:s13+$0xC10]  }
0x38: {  	v2 =	vadd.f32 v9, v2;
	v8 =	vld [tilespmem:s13+$0x840];
	v3 =	vadd.f32 v10, v3  }
0x39: {  	v10 =	vld [tilespmem:s13+$0x850];
	v1 =	vmov v13  }
0x3a: {  	v12 =	vld [tilespmem:s13+$0x800];
	v4 =	vmov v11  }
0x3b: {  	v13 =	vld [tilespmem:s13+$0x810]  }
0x3c: {  	v14 =	vld [tilespmem:s13+$0x440]  }
0x3d: {  	v15 =	vld [tilespmem:s13+$0x450]  }
0x3e: {  	v9 =	vld [tilespmem:s13+$0x400]  }
.Ltmp0:
0x3f: {  	v11 =	vld [tilespmem:s13+$0x410];
	(pc) =	sbr.rel @p0 .LBB2_2-.Ltmp0, $4  }
0x40: {  	v16 =	vld [tilespmem:s13+$0x40]  }
0x41: {  	v17 =	vld [tilespmem:s13+$0x50]  }
0x42: {  	v18 =	vld [tilespmem:s13+$0x0]  }
0x43: {  	s14 =	sadd.s32 $0x200, s14;
	v19 =	vld [tilespmem:s13+$0x10]  }
0x44: {  	v20 =	vld [tilespmem:s13+$0x20]  }
0x45: {  	v21 =	vld [tilespmem:s13+$0x30]  }
0x46: {  	v22 =	vld [tilespmem:s13+$0x60]  }
0x47: {  	v23 =	vld [tilespmem:s13+$0x70]  }
0x48: {  	v24 =	vld [tilespmem:s13+$0x420]  }
0x49: {  	v25 =	vld [tilespmem:s13+$0x430]  }
0x4a: {  	v26 =	vld [tilespmem:s13+$0x460]  }
0x4b: {  	v27 =	vld [tilespmem:s13+$0x470]  }
0x4c: {  	v28 =	vld [tilespmem:s13+$0x820]  }
0x4d: {  	v29 =	vld [tilespmem:s13+$0x830]  }
0x4e: {  	v30 =	vld [tilespmem:s13+$0x860]  }
0x4f: {  	v31 =	vld [tilespmem:s13+$0x870]  }
0x50: {  	v32 =	vld [tilespmem:s13+$0xC20]  }
0x51: {  	v33 =	vld [tilespmem:s13+$0xC30]  }
0x52: {  	v34 =	vld [tilespmem:s13+$0xC60]  }
0x53: {  	v35 =	vld [tilespmem:s13+$0xC70];
	_ =	swait.ge [sflag:s9], $0x8000;
	s14 =	simm.s32 $0x0  }
0x54: {  	[sflag:s9] =	ssyncset.done $0x0;
	s31 =	sand.u32 $0x7000, s14;
	s15 =	sand.u32 $0x380, s14  }
0x55: {  	[sflag:s9] =	ssyncadd.s32 $0xFFFF8000;
	s13 =	sor.u32 s15, s31  }
0x56: {  	v18 =	vadd.f32 v18, v0;
	v0 =	vld [tilespmem:s13+$0x8C40];
	v7 =	vadd.f32 v19, v7  }
0x57: {  	v19 =	vadd.f32 v20, v2;
	v20 =	vadd.f32 v21, v3;
	v2 =	vld [tilespmem:s13+$0x8C50]  }
0x58: {  	v16 =	vadd.f32 v16, v18;
	v3 =	vld [tilespmem:s13+$0x8C00];
	v17 =	vadd.f32 v17, v7  }
0x59: {  	v7 =	vld [tilespmem:s13+$0x8C10];
	v18 =	vadd.f32 v22, v19;
	v19 =	vadd.f32 v23, v20  }
0x5a: {  	v16 =	vadd.f32 v9, v16;
	v9 =	vld [tilespmem:s13+$0x8840];
	v17 =	vadd.f32 v11, v17  }
0x5b: {  	v11 =	vld [tilespmem:s13+$0x8850];
	v18 =	vadd.f32 v24, v18;
	v19 =	vadd.f32 v25, v19  }
0x5c: {  	v16 =	vadd.f32 v14, v16;
	v14 =	vld [tilespmem:s13+$0x8800];
	v17 =	vadd.f32 v15, v17  }
0x5d: {  	v15 =	vld [tilespmem:s13+$0x8810];
	v18 =	vadd.f32 v26, v18;
	v19 =	vadd.f32 v27, v19  }
0x5e: {  	v16 =	vadd.f32 v12, v16;
	v12 =	vld [tilespmem:s13+$0x8440];
	v17 =	vadd.f32 v13, v17  }
0x5f: {  	v13 =	vld [tilespmem:s13+$0x8450];
	v18 =	vadd.f32 v28, v18;
	v19 =	vadd.f32 v29, v19  }
0x60: {  	v16 =	vadd.f32 v8, v16;
	v8 =	vld [tilespmem:s13+$0x8400];
	v17 =	vadd.f32 v10, v17  }
0x61: {  	v10 =	vld [tilespmem:s13+$0x8410];
	v18 =	vadd.f32 v30, v18;
	v19 =	vadd.f32 v31, v19  }
0x62: {  	v5 =	vadd.f32 v5, v16;
	v16 =	vld [tilespmem:s13+$0x8040];
	v6 =	vadd.f32 v6, v17  }
0x63: {  	v17 =	vld [tilespmem:s13+$0x8050];
	v20 =	vadd.f32 v32, v18;
	v19 =	vadd.f32 v33, v19  }
0x64: {  	v1 =	vadd.f32 v1, v5;
	v18 =	vld [tilespmem:s13+$0x8000];
	v4 =	vadd.f32 v4, v6  }
0x65: {  	s15 =	simm.s32 $0x200;
	v5 =	vadd.f32 v34, v20;
	v6 =	vadd.f32 v35, v19;
	v19 =	vld [tilespmem:s13+$0x8010]  }
.LBB2_4:
0x66: {  	p0 =	sne.s32 s15, $0x7E00;
	v20 =	vld [tilespmem:s13+$0x8020]  }
0x67: {  	v21 =	vld [tilespmem:s13+$0x8030]  }
0x68: {  	v22 =	vld [tilespmem:s13+$0x8060]  }
0x69: {  	v23 =	vld [tilespmem:s13+$0x8070]  }
0x6a: {  	v24 =	vld [tilespmem:s13+$0x8420]  }
0x6b: {  	v1 =	vadd.f32 v18, v1;
	v4 =	vadd.f32 v19, v4;
	v18 =	vld [tilespmem:s13+$0x8430]  }
0x6c: {  	v5 =	vadd.f32 v20, v5;
	v6 =	vadd.f32 v21, v6;
	v19 =	vld [tilespmem:s13+$0x8460]  }
0x6d: {  	v1 =	vadd.f32 v16, v1;
	v4 =	vadd.f32 v17, v4;
	v16 =	vld [tilespmem:s13+$0x8470]  }
0x6e: {  	v5 =	vadd.f32 v22, v5;
	v6 =	vadd.f32 v23, v6;
	v17 =	vld [tilespmem:s13+$0x8820]  }
0x6f: {  	v1 =	vadd.f32 v8, v1;
	v4 =	vadd.f32 v10, v4;
	v8 =	vld [tilespmem:s13+$0x8830]  }
0x70: {  	v5 =	vadd.f32 v24, v5;
	v6 =	vadd.f32 v18, v6;
	v10 =	vld [tilespmem:s13+$0x8860]  }
0x71: {  	v1 =	vadd.f32 v12, v1;
	v4 =	vadd.f32 v13, v4;
	v12 =	vld [tilespmem:s13+$0x8870]  }
0x72: {  	v5 =	vadd.f32 v19, v5;
	v6 =	vadd.f32 v16, v6;
	v13 =	vld [tilespmem:s13+$0x8C20]  }
0x73: {  	s14 =	sadd.s32 $0x80, s14;
	v1 =	vadd.f32 v14, v1;
	v4 =	vadd.f32 v15, v4;
	v14 =	vld [tilespmem:s13+$0x8C30]  }
0x74: {  	s16 =	sand.u32 $0x7000, s15;
	s17 =	sand.u32 $0x380, s14;
	v5 =	vadd.f32 v17, v5;
	v6 =	vadd.f32 v8, v6;
	v8 =	vld [tilespmem:s13+$0x8C60]  }
0x75: {  	v1 =	vadd.f32 v9, v1;
	v4 =	vadd.f32 v11, v4;
	v11 =	vld [tilespmem:s13+$0x8C70];
	s13 =	sor.u32 s17, s16  }
0x76: {  	v5 =	vadd.f32 v10, v5;
	v15 =	vld [tilespmem:s13+$0x8C40];
	v6 =	vadd.f32 v12, v6  }
0x77: {  	v1 =	vadd.f32 v3, v1;
	v4 =	vadd.f32 v7, v4;
	v10 =	vld [tilespmem:s13+$0x8C50]  }
0x78: {  	v5 =	vadd.f32 v13, v5;
	v3 =	vld [tilespmem:s13+$0x8C00];
	v6 =	vadd.f32 v14, v6  }
0x79: {  	v1 =	vadd.f32 v0, v1;
	v4 =	vadd.f32 v2, v4;
	v7 =	vld [tilespmem:s13+$0x8C10]  }
0x7a: {  	v5 =	vadd.f32 v8, v5;
	v9 =	vld [tilespmem:s13+$0x8840];
	v6 =	vadd.f32 v11, v6  }
0x7b: {  	v11 =	vld [tilespmem:s13+$0x8850];
	v0 =	vmov v15  }
0x7c: {  	v14 =	vld [tilespmem:s13+$0x8800];
	v2 =	vmov v10  }
0x7d: {  	v15 =	vld [tilespmem:s13+$0x8810]  }
0x7e: {  	v12 =	vld [tilespmem:s13+$0x8440]  }
0x7f: {  	v13 =	vld [tilespmem:s13+$0x8450]  }
0x80: {  	v8 =	vld [tilespmem:s13+$0x8400]  }
.Ltmp1:
0x81: {  	v10 =	vld [tilespmem:s13+$0x8410];
	(pc) =	sbr.rel @p0 .LBB2_4-.Ltmp1, $4  }
0x82: {  	v16 =	vld [tilespmem:s13+$0x8040]  }
0x83: {  	v17 =	vld [tilespmem:s13+$0x8050]  }
0x84: {  	v18 =	vld [tilespmem:s13+$0x8000]  }
0x85: {  	s15 =	sadd.s32 $0x200, s15;
	v19 =	vld [tilespmem:s13+$0x8010]  }
0x86: {  	v20 =	vld [tilespmem:s13+$0x8020]  }
0x87: {  	v21 =	vld [tilespmem:s13+$0x8030]  }
0x88: {  	v22 =	vld [tilespmem:s13+$0x8060]  }
0x89: {  	v23 =	vld [tilespmem:s13+$0x8070]  }
0x8a: {  	v24 =	vld [tilespmem:s13+$0x8420]  }
0x8b: {  	v46 =	vld [tilespmem:s13+$0x8430];
	v1 =	vadd.f32 v18, v1;
	v4 =	vadd.f32 v19, v4  }
0x8c: {  	v47 =	vld [tilespmem:s13+$0x8460];
	v5 =	vadd.f32 v20, v5;
	v6 =	vadd.f32 v21, v6  }
0x8d: {  	v48 =	vld [tilespmem:s13+$0x8470];
	v1 =	vadd.f32 v16, v1;
	v4 =	vadd.f32 v17, v4  }
0x8e: {  	v49 =	vld [tilespmem:s13+$0x8820];
	v5 =	vadd.f32 v22, v5;
	v6 =	vadd.f32 v23, v6  }
0x8f: {  	v50 =	vld [tilespmem:s13+$0x8830];
	v1 =	vadd.f32 v8, v1;
	v4 =	vadd.f32 v10, v4  }
0x90: {  	v51 =	vld [tilespmem:s13+$0x8860];
	v5 =	vadd.f32 v24, v5;
	v6 =	vadd.f32 v46, v6  }
0x91: {  	v52 =	vld [tilespmem:s13+$0x8870];
	v1 =	vadd.f32 v12, v1;
	v4 =	vadd.f32 v13, v4  }
0x92: {  	v53 =	vld [tilespmem:s13+$0x8C20];
	v5 =	vadd.f32 v47, v5;
	v6 =	vadd.f32 v48, v6  }
0x93: {  	v54 =	vld [tilespmem:s13+$0x8C30];
	v1 =	vadd.f32 v14, v1;
	v4 =	vadd.f32 v15, v4  }
0x94: {  	v55 =	vld [tilespmem:s13+$0x8C60];
	v5 =	vadd.f32 v49, v5;
	v6 =	vadd.f32 v50, v6  }
0x95: {  	v56 =	vld [tilespmem:s13+$0x8C70];
	v1 =	vadd.f32 v9, v1;
	v4 =	vadd.f32 v11, v4  }
0x96: {  	v5 =	vadd.f32 v51, v5;
	v6 =	vadd.f32 v52, v6  }
0x97: {  	v1 =	vadd.f32 v3, v1;
	v57 =	vadd.f32 v7, v4  }
0x98: {  	v58 =	vadd.f32 v53, v5;
	v59 =	vadd.f32 v54, v6  }
0x99: {  	v0 =	vadd.f32 v0, v1;
	v60 =	vadd.f32 v2, v57  }
0x9a: {  	v61 =	vadd.f32 v55, v58;
	v62 =	vadd.f32 v56, v59;
	_ =	sdelay $0x1  }
0x9b: {  	v0 =	vadd.f32 v60, v0;
	v63 =	vadd.f32 v62, v61;
	_ =	sdelay $0x1  }
0x9c: {  	s12 =	sadd.s32 $0x1, s12;
	v0 =	vadd.f32 v63, v0  }
0x9d: {  	p0 =	sne.s32 s12, s6  }
.Ltmp2:
0x9e: {  	[tilespmem:$0x10000] =	vst v0;
	(pc) =	sbr.rel @p0 .LBB2_1-.Ltmp2, $4  }
0x9f: {  	[hbm4b:s5+s2] =	stream.linear.scatter [tilespmem:s10], [sflag:$0x3], $0x80, $0x38;
	[tilespmem:$0x10080] =	vst v63  }
0xa0: {  	_ =	swait.ge [sflag:s11], $0x80  }
0xa1: {  	[sflag:s11] =	ssyncset.done $0x0  }
0xa2: {  	[sflag:s11] =	ssyncadd.s32 $0xFFFFFF80  }
0xa3: {  	_ =	sfence.sel $0x180000  }
0xa4: {  	[bflag:$0x0] =	sbarrier.arrive $0xFFFF  }
0xa5: {  	p0 =	sne.s32 s1, $0x0;
	_ =	strace $0x90000047  }
0xa6: {  	s0 =	sadd.s32 @!p0 $0x100000, s0;
	[bflag:$0x2] =	sbarrier.arrive $0xFFFF  }
0xa7: {  	[sflag:s0] =	ssyncadd.tile.s32 @!p0 $0x1;
	_ =	shalt  }
.Lfunc_end2:
_tile_overlayer_lowered:
.L_overlay_start_2:
0xa8: {  	(tag) =	ssettag $0x2  }
0xa9: {  	s0 =	rddreg [dreg:$0x0];
	s2 =	stileid.u32  }
0xaa: {  	s1 =	rddreg [dreg:$0x1];
	p0 =	sne.s32 s2, $0x0  }
0xab: {  	s3 =	rddreg [dreg:$0x2];
	[bflag:$0x3] =	sbarrier.arrive $0xFFFF;
	s2 =	simm.s32 @!p0 $0x1C03  }
0xac: {  	[timem:s3], [sflag:s2] =	dma.local @!p0 [hbm:s0], s1  }
0xad: {  	s0 =	simm.s32 @!p0 $0x3  }
0xae: {  	_ =	swait.ge @!p0 [sflag:s0], s1  }
0xaf: {  	s1 =	ssub.s32 @!p0 $0x0, s1;
	[sflag:s0] =	ssyncset.done @!p0 $0x0  }
0xb0: {  	[sflag:s0] =	ssyncadd.s32 @!p0 s1  }
0xb1: {  	[bflag:$0x3] =	sbarrier.arrive $0xFFFF  }
0xb2: {  	_ =	shalt  }

</sc_bundles>
